<compile_context>
chip_gen: v7x
topology: tpu7x:2x2x1
jax: 0.10.2.dev20260603
libtpu: 0.0.44.dev20260713+nightly
codegen_flags: <defaults>
</compile_context>

<pallas_src>
import functools

import jax
import jax.numpy as jnp
from jax import lax
from jax.experimental import pallas as pl
from jax.experimental.pallas import tpu as pltpu
from jax.experimental.pallas import tpu_sc as plsc

N = 10000
D = 256
H = 512
C = 2
E = 160000
NQ = 4
QW = 128
NT = 16
NC = 2
NP = 10240
BM = 640
GI = NP // BM
BM_F = 1000
GI_F = N // BM_F

EB_W = 80
CB = 8
NCH = 16
ET_PAD = NCH * CB * EB_W
EPAD = NT * ET_PAD - E
ROWS_PER_TILE = NP // NT

DEG_W = 32

_mesh = functools.partial(
    plsc.VectorSubcoreMesh, core_axis_name="c", subcore_axis_name="s")


def _deg_call(ones2, src_r, dst_r):
  return _agg_call(ones2, src_r, dst_r, nq=NC)


def _agg_body_impl(nqc, hpq, src_r, dst_r, aggq, acc_sh, src_v, dst_v,
                   rows_0, sem_g0):
  c = lax.axis_index("c")
  s = lax.axis_index("s")
  pltpu.sync_copy(src_r.at[s], src_v)
  pltpu.sync_copy(dst_r.at[s], dst_v)

  for qq in range(nqc):
    q = c * nqc + qq
    hq = hpq.at[q]
    pltpu.sync_copy(hq.at[pl.ds(s * ROWS_PER_TILE, ROWS_PER_TILE)],
                    acc_sh.at[pl.ds(s * ROWS_PER_TILE, ROWS_PER_TILE)])
    plsc.subcore_barrier()

    def step(j, carry):
      pltpu.async_copy(hq.at[src_v.at[j]], rows_0, sem_g0).wait()
      pltpu.sync_copy(rows_0, acc_sh.at[dst_v.at[j]], add=True)
      return carry

    lax.fori_loop(0, NCH * CB, step, 0)
    plsc.subcore_barrier()
    pltpu.sync_copy(acc_sh.at[pl.ds(s * ROWS_PER_TILE, ROWS_PER_TILE)],
                    aggq.at[q, pl.ds(s * ROWS_PER_TILE, ROWS_PER_TILE)])
    plsc.subcore_barrier()


def _agg_call(hpq, src_r, dst_r, nq=NQ):
  f = pl.kernel(
      functools.partial(_agg_body_impl, nq // NC),
      out_type=jax.ShapeDtypeStruct((nq, NP, QW), jnp.float32),
      mesh=_mesh(),
      scratch_types=[
          pltpu.VMEM_SHARED((NP, QW), jnp.float32),
          pltpu.VMEM((NCH * CB, EB_W), jnp.int32),
          pltpu.VMEM((NCH * CB, EB_W), jnp.int32),
          pltpu.VMEM((EB_W, QW), jnp.float32),
          pltpu.SemaphoreType.DMA,
      ],
  )
  return f(hpq, src_r, dst_r)



_PREC = lax.Precision.DEFAULT


def _dinv_body(parts, dinv):
  i = pl.program_id(0)
  d = parts[0, :, 0:1]
  row = i * BM + lax.broadcasted_iota(jnp.int32, (BM, 1), 0)
  dinv[...] = jnp.where(row < N, lax.rsqrt(jnp.maximum(d, 1.0)), 0.0)


def _dinv_call(parts):
  return pl.pallas_call(
      _dinv_body,
      grid=(GI,),
      in_specs=[pl.BlockSpec((1, BM, QW), lambda i: (0, i, 0))],
      out_specs=pl.BlockSpec((BM, 1), lambda i: (i, 0)),
      out_shape=jax.ShapeDtypeStruct((NP, 1), jnp.float32),
  )(parts)


def _hp_body(x, w, dinv, out):
  out[0] = jnp.dot(x[...], w[...], preferred_element_type=jnp.float32,
                   precision=_PREC) * dinv[...]


def _hp_call(x, w, dinv):
  din = x.shape[1]
  return pl.pallas_call(
      _hp_body,
      grid=(GI, NQ),
      in_specs=[
          pl.BlockSpec((BM, din), lambda i, q: (i, 0)),
          pl.BlockSpec((din, QW), lambda i, q: (0, q)),
          pl.BlockSpec((BM, 1), lambda i, q: (i, 0)),
      ],
      out_specs=pl.BlockSpec((1, BM, QW), lambda i, q: (q, i, 0)),
      out_shape=jax.ShapeDtypeStruct((NQ, NP, QW), jnp.float32),
  )(x, w, dinv)


def _stats_body(aggq, dinv, sref, ssref):
  i = pl.program_id(1)
  tv = aggq[0] * dinv[...]
  col = jnp.sum(tv, axis=0, keepdims=True)
  col2 = jnp.sum(tv * tv, axis=0, keepdims=True)

  @pl.when(i == 0)
  def _():
    sref[0] = col
    ssref[0] = col2

  @pl.when(i != 0)
  def _():
    sref[0] += col
    ssref[0] += col2


def _stats_call(aggq, dinv):
  return pl.pallas_call(
      _stats_body,
      grid=(NQ, GI),
      in_specs=[
          pl.BlockSpec((1, BM, QW), lambda q, i: (q, i, 0)),
          pl.BlockSpec((BM, 1), lambda q, i: (i, 0)),
      ],
      out_specs=[
          pl.BlockSpec((1, 1, QW), lambda q, i: (q, 0, 0)),
          pl.BlockSpec((1, 1, QW), lambda q, i: (q, 0, 0)),
      ],
      out_shape=[
          jax.ShapeDtypeStruct((NQ, 1, QW), jnp.float32),
          jax.ShapeDtypeStruct((NQ, 1, QW), jnp.float32),
      ],
  )(aggq, dinv)


def _bn_relu(t, s, ss, g, be):
  m = s / N
  v = ss / N - m * m
  return jnp.maximum((t - m) * lax.rsqrt(v + 1e-5) * g + be, 0.0)


def _mid_body(t1, s1, ss1, g1, be1, w2, dinv, out):
  acc = jnp.zeros((BM, QW), jnp.float32)
  for qi in range(NQ):
    h = _bn_relu(t1[qi] * dinv[...], s1[qi], ss1[qi], g1[qi], be1[qi])
    acc += jnp.dot(h, w2[qi * QW:(qi + 1) * QW, :],
                   preferred_element_type=jnp.float32, precision=_PREC)
  out[0] = acc * dinv[...]


def _mid_call(agg, s1, ss1, g1, be1, w2, dinv):
  return pl.pallas_call(
      _mid_body,
      grid=(GI, NQ),
      in_specs=[
          pl.BlockSpec((NQ, BM, QW), lambda i, q: (0, i, 0)),
          pl.BlockSpec((NQ, 1, QW), lambda i, q: (0, 0, 0)),
          pl.BlockSpec((NQ, 1, QW), lambda i, q: (0, 0, 0)),
          pl.BlockSpec((NQ, QW), lambda i, q: (0, 0)),
          pl.BlockSpec((NQ, QW), lambda i, q: (0, 0)),
          pl.BlockSpec((H, QW), lambda i, q: (0, q)),
          pl.BlockSpec((BM, 1), lambda i, q: (i, 0)),
      ],
      out_specs=pl.BlockSpec((1, BM, QW), lambda i, q: (q, i, 0)),
      out_shape=jax.ShapeDtypeStruct((NQ, NP, QW), jnp.float32),
  )(agg, s1, ss1, g1, be1, w2, dinv)


def _fin_body(t2, s2, ss2, g2, be2, wfc, bfc, dinv, out):
  acc = jnp.zeros((BM_F, C), jnp.float32)
  for qi in range(NQ):
    h = _bn_relu(t2[qi] * dinv[...], s2[qi], ss2[qi], g2[qi], be2[qi])
    acc += jnp.dot(h, wfc[qi], preferred_element_type=jnp.float32,
                   precision=_PREC)
  out[...] = acc + bfc[...]


def _fin_call(agg, s2, ss2, g2, be2, wfcq, bfc, dinv):
  return pl.pallas_call(
      _fin_body,
      grid=(GI_F,),
      in_specs=[
          pl.BlockSpec((NQ, BM_F, QW), lambda i: (0, i, 0)),
          pl.BlockSpec((NQ, 1, QW), lambda i: (0, 0, 0)),
          pl.BlockSpec((NQ, 1, QW), lambda i: (0, 0, 0)),
          pl.BlockSpec((NQ, QW), lambda i: (0, 0)),
          pl.BlockSpec((NQ, QW), lambda i: (0, 0)),
          pl.BlockSpec((NQ, QW, C), lambda i: (0, 0, 0)),
          pl.BlockSpec((1, C), lambda i: (0, 0)),
          pl.BlockSpec((BM_F, 1), lambda i: (i, 0)),
      ],
      out_specs=pl.BlockSpec((BM_F, C), lambda i: (i, 0)),
      out_shape=jax.ShapeDtypeStruct((N, C), jnp.float32),
  )(agg, s2, ss2, g2, be2, wfcq, bfc, dinv)


def kernel(x, edge_index, W1, b1, g1, be1, W2, b2, g2, be2, Wfc, bfc):
  src = edge_index[0]
  dst = edge_index[1]
  tpad = ET_PAD - E // NT
  tid = jnp.arange(NT, dtype=jnp.int32)[:, None]
  k = jnp.arange(tpad, dtype=jnp.int32)[None, :]
  pad_src = (tid * 977 + k * 41) % N
  pad_dst = N + (tid * 31 + k) % (NP - N)
  src_r = jnp.concatenate([src.reshape(NT, E // NT), pad_src],
                          axis=1).reshape(NT, NCH * CB, EB_W)
  dst_r = jnp.concatenate([dst.reshape(NT, E // NT), pad_dst],
                          axis=1).reshape(NT, NCH * CB, EB_W)
  ones2 = jnp.ones((NC, NP, QW), jnp.float32)
  xp = jnp.pad(x, ((0, NP - N), (0, 0)))

  parts = _deg_call(ones2, src_r, dst_r)
  dinv = _dinv_call(parts)

  g1q = g1.reshape(NQ, QW)
  be1q = be1.reshape(NQ, QW)
  g2q = g2.reshape(NQ, QW)
  be2q = be2.reshape(NQ, QW)
  wfcq = Wfc.reshape(NQ, QW, C)
  bfc2 = bfc.reshape(1, C)

  hp1 = _hp_call(xp, W1, dinv)
  agg1 = _agg_call(hp1, src_r, dst_r)
  s1, ss1 = _stats_call(agg1, dinv)
  hp2 = _mid_call(agg1, s1, ss1, g1q, be1q, W2, dinv)
  agg2 = _agg_call(hp2, src_r, dst_r)
  s2, ss2 = _stats_call(agg2, dinv)
  out = _fin_call(agg2, s2, ss2, g2q, be2q, wfcq, bfc2, dinv)
  return out

# --- scband reference (transcript-rebuilt; emitter-appended) ---
"""Pipeline reference for scband-gcnnet-35545149341782 (READ-ONLY COPY).

The authoritative reference and input builder live on the scoring server;
editing this copy changes nothing except your own understanding.
"""

import jax, jax.numpy as jnp
import numpy as np

N = 10000
E = 160000
D = 256
H = 512
C = 2


def setup_inputs(seed: int = 0) -> dict:
    key = jax.random.key(seed)
    ks = jax.random.split(key, 13)
    x = jax.random.normal(ks[0], (N, D), dtype=jnp.float32)
    edge_index = jax.random.randint(ks[1], (2, E), 0, N, dtype=jnp.int32)
    W1 = jax.random.normal(ks[2], (D, H), dtype=jnp.float32) * (1.0 / np.sqrt(D))
    b1 = jnp.zeros((H,), dtype=jnp.float32)
    g1 = jnp.ones((H,), dtype=jnp.float32)
    be1 = jnp.zeros((H,), dtype=jnp.float32)
    W2 = jax.random.normal(ks[3], (H, H), dtype=jnp.float32) * (1.0 / np.sqrt(H))
    b2 = jnp.zeros((H,), dtype=jnp.float32)
    g2 = jnp.ones((H,), dtype=jnp.float32)
    be2 = jnp.zeros((H,), dtype=jnp.float32)
    Wfc = jax.random.normal(ks[4], (H, C), dtype=jnp.float32) * (1.0 / np.sqrt(H))
    bfc = jnp.zeros((C,), dtype=jnp.float32)
    return {"x": x, "edge_index": edge_index, "W1": W1, "b1": b1, "g1": g1, "be1": be1,
            "W2": W2, "b2": b2, "g2": g2, "be2": be2, "Wfc": Wfc, "bfc": bfc}


def _gcn_conv(x, src, dst, W, b, n):
    # PyG GCNConv: add self-loops, symmetric normalization D^-1/2 A D^-1/2,
    # linear transform, scatter-add aggregation at dst, then bias.
    loop = jnp.arange(n, dtype=src.dtype)
    s = jnp.concatenate([src, loop])
    d = jnp.concatenate([dst, loop])
    deg = jnp.zeros((n,), dtype=x.dtype).at[d].add(1.0)
    dinv = jax.lax.rsqrt(jnp.maximum(deg, 1.0))
    norm = dinv[s] * dinv[d]
    h = x @ W
    msg = jnp.take(h, s, axis=0) * norm[:, None]
    out = jax.ops.segment_sum(msg, d, num_segments=n)
    return out + b


def _bn(x, g, b, eps=1e-5):
    m = jnp.mean(x, axis=0)
    v = jnp.var(x, axis=0)
    return (x - m) * jax.lax.rsqrt(v + eps) * g + b


def reference(x, edge_index, W1, b1, g1, be1, W2, b2, g2, be2, Wfc, bfc):
    src = edge_index[0]
    dst = edge_index[1]
    n = x.shape[0]
    h = _gcn_conv(x, src, dst, W1, b1, n)
    h = _bn(h, g1, be1)
    h = jax.nn.relu(h)
    # dropout is identity in deterministic/eval reference
    h = _gcn_conv(h, src, dst, W2, b2, n)
    h = _bn(h, g2, be2)
    h = jax.nn.relu(h)
    out = h @ Wfc + bfc
    return out

if __name__ == "__main__":
    import jax
    _d = setup_inputs()
    print(jax.jit(kernel)(*tuple(_d.values())))

</pallas_src>

<mosaic_0001>
#map = affine_map<(d0, d1) -> (0, 0, 0)>
module attributes {stable_mosaic.version = 14 : i64} {
  func.func @_agg_body_impl(%arg0: i32, %arg1: i32, %arg2: memref<2x10240x128xf32, #tpu.memory_space<hbm>>, %arg3: memref<16x128x80xi32, #tpu.memory_space<hbm>>, %arg4: memref<16x128x80xi32, #tpu.memory_space<hbm>>, %arg5: memref<2x10240x128xf32, #tpu.memory_space<hbm>>, %arg6: memref<10240x128xf32, #tpu.memory_space<vmem_shared>>, %arg7: memref<128x80xi32, #tpu.memory_space<vmem>>, %arg8: memref<128x80xi32, #tpu.memory_space<vmem>>, %arg9: memref<80x128xf32, #tpu.memory_space<vmem>>, %arg10: memref<!tpu.dma_semaphore, #tpu.memory_space<semaphore_mem>>) attributes {dimension_semantics = [#tpu.dimension_semantics<core_parallel>, #tpu.dimension_semantics<subcore_parallel>], iteration_bounds = array<i64: 2, 16>, scalar_prefetch = 0 : i64, scratch_operands = 5 : i64, tpu.core_type = #tpu.core_type<sc_vector_subcore>, window_params = [{transform_indices = #map}, {transform_indices = #map}, {transform_indices = #map}, {transform_indices = #map}]} {
    "tpu.region"() ({
      %run_scoped3A = tpu.sem_alloc : memref<!tpu.dma_semaphore, #tpu.memory_space<semaphore_mem>>
      %dma_start3A = arith.constant 0 : i32
      %dma_start3A_17 = arith.constant 0 : i32
      %dma_start3A_18 = tpu.memref_slice %arg3[%arg1, %dma_start3A, %dma_start3A_17] : memref<16x128x80xi32, #tpu.memory_space<hbm>> -> memref<1x128x80xi32, #tpu.memory_space<hbm>>
      %dma_start3A_19 = tpu.memref_squeeze %dma_start3A_18 : memref<1x128x80xi32, #tpu.memory_space<hbm>> -> memref<128x80xi32, #tpu.memory_space<hbm>>
      %dma_start3A_20 = arith.constant 0 : i32
      %dma_start3A_21 = arith.constant 0 : i32
      %dma_start3A_22 = tpu.memref_slice %arg3[%arg1, %dma_start3A_20, %dma_start3A_21] : memref<16x128x80xi32, #tpu.memory_space<hbm>> -> memref<1x128x80xi32, #tpu.memory_space<hbm>>
      %dma_start3A_23 = tpu.memref_squeeze %dma_start3A_22 : memref<1x128x80xi32, #tpu.memory_space<hbm>> -> memref<128x80xi32, #tpu.memory_space<hbm>>
      tpu.enqueue_dma source(%dma_start3A_23 : memref<128x80xi32, #tpu.memory_space<hbm>>) target(%arg7 : memref<128x80xi32, #tpu.memory_space<vmem>>) target_semaphore(%run_scoped3A : memref<!tpu.dma_semaphore, #tpu.memory_space<semaphore_mem>>)
      %dma_wait3A = arith.constant 0 : i32
      %dma_wait3A_24 = arith.constant 0 : i32
      %dma_wait3A_25 = tpu.memref_slice %arg3[%arg1, %dma_wait3A, %dma_wait3A_24] : memref<16x128x80xi32, #tpu.memory_space<hbm>> -> memref<1x128x80xi32, #tpu.memory_space<hbm>>
      %dma_wait3A_26 = tpu.memref_squeeze %dma_wait3A_25 : memref<1x128x80xi32, #tpu.memory_space<hbm>> -> memref<128x80xi32, #tpu.memory_space<hbm>>
      %dma_wait3A_27 = arith.constant 0 : i32
      %dma_wait3A_28 = arith.constant 0 : i32
      %dma_wait3A_29 = tpu.memref_slice %arg3[%arg1, %dma_wait3A_27, %dma_wait3A_28] : memref<16x128x80xi32, #tpu.memory_space<hbm>> -> memref<1x128x80xi32, #tpu.memory_space<hbm>>
      %dma_wait3A_30 = tpu.memref_squeeze %dma_wait3A_29 : memref<1x128x80xi32, #tpu.memory_space<hbm>> -> memref<128x80xi32, #tpu.memory_space<hbm>>
      tpu.wait_dma2 semaphore(%run_scoped3A : memref<!tpu.dma_semaphore, #tpu.memory_space<semaphore_mem>>) src(%dma_wait3A_30 : memref<128x80xi32, #tpu.memory_space<hbm>>) dst(%arg7 : memref<128x80xi32, #tpu.memory_space<vmem>>)
      tpu.yield
    }) : () -> ()
    "tpu.region"() ({
      %run_scoped3A = tpu.sem_alloc : memref<!tpu.dma_semaphore, #tpu.memory_space<semaphore_mem>>
      %dma_start3A = arith.constant 0 : i32
      %dma_start3A_17 = arith.constant 0 : i32
      %dma_start3A_18 = tpu.memref_slice %arg4[%arg1, %dma_start3A, %dma_start3A_17] : memref<16x128x80xi32, #tpu.memory_space<hbm>> -> memref<1x128x80xi32, #tpu.memory_space<hbm>>
      %dma_start3A_19 = tpu.memref_squeeze %dma_start3A_18 : memref<1x128x80xi32, #tpu.memory_space<hbm>> -> memref<128x80xi32, #tpu.memory_space<hbm>>
      %dma_start3A_20 = arith.constant 0 : i32
      %dma_start3A_21 = arith.constant 0 : i32
      %dma_start3A_22 = tpu.memref_slice %arg4[%arg1, %dma_start3A_20, %dma_start3A_21] : memref<16x128x80xi32, #tpu.memory_space<hbm>> -> memref<1x128x80xi32, #tpu.memory_space<hbm>>
      %dma_start3A_23 = tpu.memref_squeeze %dma_start3A_22 : memref<1x128x80xi32, #tpu.memory_space<hbm>> -> memref<128x80xi32, #tpu.memory_space<hbm>>
      tpu.enqueue_dma source(%dma_start3A_23 : memref<128x80xi32, #tpu.memory_space<hbm>>) target(%arg8 : memref<128x80xi32, #tpu.memory_space<vmem>>) target_semaphore(%run_scoped3A : memref<!tpu.dma_semaphore, #tpu.memory_space<semaphore_mem>>)
      %dma_wait3A = arith.constant 0 : i32
      %dma_wait3A_24 = arith.constant 0 : i32
      %dma_wait3A_25 = tpu.memref_slice %arg4[%arg1, %dma_wait3A, %dma_wait3A_24] : memref<16x128x80xi32, #tpu.memory_space<hbm>> -> memref<1x128x80xi32, #tpu.memory_space<hbm>>
      %dma_wait3A_26 = tpu.memref_squeeze %dma_wait3A_25 : memref<1x128x80xi32, #tpu.memory_space<hbm>> -> memref<128x80xi32, #tpu.memory_space<hbm>>
      %dma_wait3A_27 = arith.constant 0 : i32
      %dma_wait3A_28 = arith.constant 0 : i32
      %dma_wait3A_29 = tpu.memref_slice %arg4[%arg1, %dma_wait3A_27, %dma_wait3A_28] : memref<16x128x80xi32, #tpu.memory_space<hbm>> -> memref<1x128x80xi32, #tpu.memory_space<hbm>>
      %dma_wait3A_30 = tpu.memref_squeeze %dma_wait3A_29 : memref<1x128x80xi32, #tpu.memory_space<hbm>> -> memref<128x80xi32, #tpu.memory_space<hbm>>
      tpu.wait_dma2 semaphore(%run_scoped3A : memref<!tpu.dma_semaphore, #tpu.memory_space<semaphore_mem>>) src(%dma_wait3A_30 : memref<128x80xi32, #tpu.memory_space<hbm>>) dst(%arg8 : memref<128x80xi32, #tpu.memory_space<vmem>>)
      tpu.yield
    }) : () -> ()
    %mul3A = arith.constant 1 : i32
    %mul3A_0 = arith.muli %arg0, %mul3A : i32
    %add3A = arith.constant 0 : i32
    %add3A_1 = arith.addi %mul3A_0, %add3A : i32
    %mul3A_2 = arith.constant 640 : i32
    %mul3A_3 = arith.muli %arg1, %mul3A_2 : i32
    %mul3A_4 = arith.constant 640 : i32
    %mul3A_5 = arith.muli %arg1, %mul3A_4 : i32
    "tpu.region"() ({
      %run_scoped3A = tpu.sem_alloc : memref<!tpu.dma_semaphore, #tpu.memory_space<semaphore_mem>>
      %dma_start3A = arith.constant 0 : i32
      %dma_start3A_17 = tpu.memref_slice %arg6[%mul3A_5, %dma_start3A] : memref<10240x128xf32, #tpu.memory_space<vmem_shared>> -> memref<640x128xf32, #tpu.memory_space<vmem_shared>>
      %dma_start3A_18 = arith.constant 0 : i32
      %dma_start3A_19 = arith.constant 0 : i32
      %dma_start3A_20 = tpu.memref_slice %arg2[%add3A_1, %dma_start3A_18, %dma_start3A_19] : memref<2x10240x128xf32, #tpu.memory_space<hbm>> -> memref<1x10240x128xf32, #tpu.memory_space<hbm>>
      %dma_start3A_21 = tpu.memref_squeeze %dma_start3A_20 : memref<1x10240x128xf32, #tpu.memory_space<hbm>> -> memref<10240x128xf32, #tpu.memory_space<hbm>>
      %dma_start3A_22 = arith.constant 0 : i32
      %dma_start3A_23 = tpu.memref_slice %dma_start3A_21[%mul3A_3, %dma_start3A_22] : memref<10240x128xf32, #tpu.memory_space<hbm>> -> memref<640x128xf32, #tpu.memory_space<hbm>>
      tpu.enqueue_dma source(%dma_start3A_23 : memref<640x128xf32, #tpu.memory_space<hbm>>) target(%dma_start3A_17 : memref<640x128xf32, #tpu.memory_space<vmem_shared>>) target_semaphore(%run_scoped3A : memref<!tpu.dma_semaphore, #tpu.memory_space<semaphore_mem>>)
      %dma_wait3A = arith.constant 0 : i32
      %dma_wait3A_24 = tpu.memref_slice %arg6[%mul3A_5, %dma_wait3A] : memref<10240x128xf32, #tpu.memory_space<vmem_shared>> -> memref<640x128xf32, #tpu.memory_space<vmem_shared>>
      %dma_wait3A_25 = arith.constant 0 : i32
      %dma_wait3A_26 = arith.constant 0 : i32
      %dma_wait3A_27 = tpu.memref_slice %arg2[%add3A_1, %dma_wait3A_25, %dma_wait3A_26] : memref<2x10240x128xf32, #tpu.memory_space<hbm>> -> memref<1x10240x128xf32, #tpu.memory_space<hbm>>
      %dma_wait3A_28 = tpu.memref_squeeze %dma_wait3A_27 : memref<1x10240x128xf32, #tpu.memory_space<hbm>> -> memref<10240x128xf32, #tpu.memory_space<hbm>>
      %dma_wait3A_29 = arith.constant 0 : i32
      %dma_wait3A_30 = tpu.memref_slice %dma_wait3A_28[%mul3A_3, %dma_wait3A_29] : memref<10240x128xf32, #tpu.memory_space<hbm>> -> memref<640x128xf32, #tpu.memory_space<hbm>>
      tpu.wait_dma2 semaphore(%run_scoped3A : memref<!tpu.dma_semaphore, #tpu.memory_space<semaphore_mem>>) src(%dma_wait3A_30 : memref<640x128xf32, #tpu.memory_space<hbm>>) dst(%dma_wait3A_24 : memref<640x128xf32, #tpu.memory_space<vmem_shared>>)
      tpu.yield
    }) : () -> ()
    %barrier3A = arith.constant 0 : index
    tpu.barrier barrier_id(%barrier3A)
    %scan3A = arith.constant 0 : i32
    %scan3A_6 = arith.constant 0 : i32
    %scan3A_7 = arith.constant 128 : i32
    %scan3A_8 = arith.addi %scan3A_6, %scan3A_7 : i32
    %scan3A_9 = arith.constant 1 : i32
    scf.for %scan3A_17 = %scan3A_6 to %scan3A_8 step %scan3A_9  : i32 {
      %dma_start3A = arith.constant 0 : i32
      %dma_start3A_18 = tpu.memref_slice %arg7[%scan3A_17, %dma_start3A] : memref<128x80xi32, #tpu.memory_space<vmem>> -> memref<1x80xi32, #tpu.memory_space<vmem>>
      %dma_start3A_19 = tpu.memref_squeeze %dma_start3A_18 : memref<1x80xi32, #tpu.memory_space<vmem>> -> memref<80xi32, #tpu.memory_space<vmem>>
      %dma_start3A_20 = arith.constant 0 : i32
      %dma_start3A_21 = arith.constant 0 : i32
      %dma_start3A_22 = tpu.memref_slice %arg2[%add3A_1, %dma_start3A_20, %dma_start3A_21] : memref<2x10240x128xf32, #tpu.memory_space<hbm>> -> memref<1x10240x128xf32, #tpu.memory_space<hbm>>
      %dma_start3A_23 = tpu.memref_squeeze %dma_start3A_22 : memref<1x10240x128xf32, #tpu.memory_space<hbm>> -> memref<10240x128xf32, #tpu.memory_space<hbm>>
      %dma_start3A_24 = arith.constant 0 : i32
      %dma_start3A_25 = arith.constant 0 : i32
      %dma_start3A_26 = tpu.memref_slice %dma_start3A_23[%dma_start3A_24, %dma_start3A_25] : memref<10240x128xf32, #tpu.memory_space<hbm>> -> memref<10240x128xf32, #tpu.memory_space<hbm>>
      tpu.enqueue_indirect_dma source(%dma_start3A_26 : memref<10240x128xf32, #tpu.memory_space<hbm>>) target(%arg9 : memref<80x128xf32, #tpu.memory_space<vmem>>) offsets(%dma_start3A_19 : memref<80xi32, #tpu.memory_space<vmem>>) semaphore(%arg10 : memref<!tpu.dma_semaphore, #tpu.memory_space<semaphore_mem>>)
      %dma_wait3A = arith.constant 0 : i32
      %dma_wait3A_27 = tpu.memref_slice %arg7[%scan3A_17, %dma_wait3A] : memref<128x80xi32, #tpu.memory_space<vmem>> -> memref<1x80xi32, #tpu.memory_space<vmem>>
      %dma_wait3A_28 = tpu.memref_squeeze %dma_wait3A_27 : memref<1x80xi32, #tpu.memory_space<vmem>> -> memref<80xi32, #tpu.memory_space<vmem>>
      %dma_wait3A_29 = arith.constant 0 : i32
      %dma_wait3A_30 = arith.constant 0 : i32
      %dma_wait3A_31 = tpu.memref_slice %arg2[%add3A_1, %dma_wait3A_29, %dma_wait3A_30] : memref<2x10240x128xf32, #tpu.memory_space<hbm>> -> memref<1x10240x128xf32, #tpu.memory_space<hbm>>
      %dma_wait3A_32 = tpu.memref_squeeze %dma_wait3A_31 : memref<1x10240x128xf32, #tpu.memory_space<hbm>> -> memref<10240x128xf32, #tpu.memory_space<hbm>>
      %dma_wait3A_33 = arith.constant 0 : i32
      %dma_wait3A_34 = arith.constant 0 : i32
      %dma_wait3A_35 = tpu.memref_slice %dma_wait3A_32[%dma_wait3A_33, %dma_wait3A_34] : memref<10240x128xf32, #tpu.memory_space<hbm>> -> memref<10240x128xf32, #tpu.memory_space<hbm>>
      tpu.wait_indirect_dma semaphore(%arg10 : memref<!tpu.dma_semaphore, #tpu.memory_space<semaphore_mem>>) src(%dma_wait3A_35 : memref<10240x128xf32, #tpu.memory_space<hbm>>) dst(%arg9 : memref<80x128xf32, #tpu.memory_space<vmem>>)
      "tpu.region"() ({
        %run_scoped3A = tpu.sem_alloc : memref<!tpu.dma_semaphore, #tpu.memory_space<semaphore_mem>>
        %dma_start3A_36 = arith.constant 0 : i32
        %dma_start3A_37 = tpu.memref_slice %arg8[%scan3A_17, %dma_start3A_36] : memref<128x80xi32, #tpu.memory_space<vmem>> -> memref<1x80xi32, #tpu.memory_space<vmem>>
        %dma_start3A_38 = tpu.memref_squeeze %dma_start3A_37 : memref<1x80xi32, #tpu.memory_space<vmem>> -> memref<80xi32, #tpu.memory_space<vmem>>
        %dma_start3A_39 = arith.constant 0 : i32
        %dma_start3A_40 = arith.constant 0 : i32
        %dma_start3A_41 = tpu.memref_slice %arg6[%dma_start3A_39, %dma_start3A_40] : memref<10240x128xf32, #tpu.memory_space<vmem_shared>> -> memref<10240x128xf32, #tpu.memory_space<vmem_shared>>
        tpu.enqueue_indirect_dma source(%arg9 : memref<80x128xf32, #tpu.memory_space<vmem>>) target(%dma_start3A_41 : memref<10240x128xf32, #tpu.memory_space<vmem_shared>>) offsets(%dma_start3A_38 : memref<80xi32, #tpu.memory_space<vmem>>) semaphore(%run_scoped3A : memref<!tpu.dma_semaphore, #tpu.memory_space<semaphore_mem>>) {add = true}
        %dma_wait3A_42 = arith.constant 0 : i32
        %dma_wait3A_43 = tpu.memref_slice %arg8[%scan3A_17, %dma_wait3A_42] : memref<128x80xi32, #tpu.memory_space<vmem>> -> memref<1x80xi32, #tpu.memory_space<vmem>>
        %dma_wait3A_44 = tpu.memref_squeeze %dma_wait3A_43 : memref<1x80xi32, #tpu.memory_space<vmem>> -> memref<80xi32, #tpu.memory_space<vmem>>
        %dma_wait3A_45 = arith.constant 0 : i32
        %dma_wait3A_46 = arith.constant 0 : i32
        %dma_wait3A_47 = tpu.memref_slice %arg6[%dma_wait3A_45, %dma_wait3A_46] : memref<10240x128xf32, #tpu.memory_space<vmem_shared>> -> memref<10240x128xf32, #tpu.memory_space<vmem_shared>>
        tpu.wait_indirect_dma semaphore(%run_scoped3A : memref<!tpu.dma_semaphore, #tpu.memory_space<semaphore_mem>>) src(%arg9 : memref<80x128xf32, #tpu.memory_space<vmem>>) dst(%dma_wait3A_47 : memref<10240x128xf32, #tpu.memory_space<vmem_shared>>)
        tpu.yield
      }) : () -> ()
    }
    %scan3A_10 = arith.constant 128 : i32
    %barrier3A_11 = arith.constant 0 : index
    tpu.barrier barrier_id(%barrier3A_11)
    %mul3A_12 = arith.constant 640 : i32
    %mul3A_13 = arith.muli %arg1, %mul3A_12 : i32
    %mul3A_14 = arith.constant 640 : i32
    %mul3A_15 = arith.muli %arg1, %mul3A_14 : i32
    "tpu.region"() ({
      %run_scoped3A = tpu.sem_alloc : memref<!tpu.dma_semaphore, #tpu.memory_space<semaphore_mem>>
      %dma_start3A = arith.constant 0 : i32
      %dma_start3A_17 = tpu.memref_slice %arg5[%add3A_1, %mul3A_15, %dma_start3A] : memref<2x10240x128xf32, #tpu.memory_space<hbm>> -> memref<1x640x128xf32, #tpu.memory_space<hbm>>
      %dma_start3A_18 = tpu.memref_squeeze %dma_start3A_17 : memref<1x640x128xf32, #tpu.memory_space<hbm>> -> memref<640x128xf32, #tpu.memory_space<hbm>>
      %dma_start3A_19 = arith.constant 0 : i32
      %dma_start3A_20 = tpu.memref_slice %arg6[%mul3A_13, %dma_start3A_19] : memref<10240x128xf32, #tpu.memory_space<vmem_shared>> -> memref<640x128xf32, #tpu.memory_space<vmem_shared>>
      tpu.enqueue_dma source(%dma_start3A_20 : memref<640x128xf32, #tpu.memory_space<vmem_shared>>) target(%dma_start3A_18 : memref<640x128xf32, #tpu.memory_space<hbm>>) target_semaphore(%run_scoped3A : memref<!tpu.dma_semaphore, #tpu.memory_space<semaphore_mem>>)
      %dma_wait3A = arith.constant 0 : i32
      %dma_wait3A_21 = tpu.memref_slice %arg5[%add3A_1, %mul3A_15, %dma_wait3A] : memref<2x10240x128xf32, #tpu.memory_space<hbm>> -> memref<1x640x128xf32, #tpu.memory_space<hbm>>
      %dma_wait3A_22 = tpu.memref_squeeze %dma_wait3A_21 : memref<1x640x128xf32, #tpu.memory_space<hbm>> -> memref<640x128xf32, #tpu.memory_space<hbm>>
      %dma_wait3A_23 = arith.constant 0 : i32
      %dma_wait3A_24 = tpu.memref_slice %arg6[%mul3A_13, %dma_wait3A_23] : memref<10240x128xf32, #tpu.memory_space<vmem_shared>> -> memref<640x128xf32, #tpu.memory_space<vmem_shared>>
      tpu.wait_dma2 semaphore(%run_scoped3A : memref<!tpu.dma_semaphore, #tpu.memory_space<semaphore_mem>>) src(%dma_wait3A_24 : memref<640x128xf32, #tpu.memory_space<vmem_shared>>) dst(%dma_wait3A_22 : memref<640x128xf32, #tpu.memory_space<hbm>>)
      tpu.yield
    }) : () -> ()
    %barrier3A_16 = arith.constant 0 : index
    tpu.barrier barrier_id(%barrier3A_16)
    return
  }
}

#map = affine_map<(d0, d1) -> (0, 0, 0)>
module attributes {stable_mosaic.version = 14 : i64} {
  func.func @_agg_body_impl(%arg0: i32, %arg1: i32, %arg2: memref<4x10240x128xf32, #tpu.memory_space<hbm>>, %arg3: memref<16x128x80xi32, #tpu.memory_space<hbm>>, %arg4: memref<16x128x80xi32, #tpu.memory_space<hbm>>, %arg5: memref<4x10240x128xf32, #tpu.memory_space<hbm>>, %arg6: memref<10240x128xf32, #tpu.memory_space<vmem_shared>>, %arg7: memref<128x80xi32, #tpu.memory_space<vmem>>, %arg8: memref<128x80xi32, #tpu.memory_space<vmem>>, %arg9: memref<80x128xf32, #tpu.memory_space<vmem>>, %arg10: memref<!tpu.dma_semaphore, #tpu.memory_space<semaphore_mem>>) attributes {dimension_semantics = [#tpu.dimension_semantics<core_parallel>, #tpu.dimension_semantics<subcore_parallel>], iteration_bounds = array<i64: 2, 16>, scalar_prefetch = 0 : i64, scratch_operands = 5 : i64, tpu.core_type = #tpu.core_type<sc_vector_subcore>, window_params = [{transform_indices = #map}, {transform_indices = #map}, {transform_indices = #map}, {transform_indices = #map}]} {
    "tpu.region"() ({
      %run_scoped3A = tpu.sem_alloc : memref<!tpu.dma_semaphore, #tpu.memory_space<semaphore_mem>>
      %dma_start3A = arith.constant 0 : i32
      %dma_start3A_38 = arith.constant 0 : i32
      %dma_start3A_39 = tpu.memref_slice %arg3[%arg1, %dma_start3A, %dma_start3A_38] : memref<16x128x80xi32, #tpu.memory_space<hbm>> -> memref<1x128x80xi32, #tpu.memory_space<hbm>>
      %dma_start3A_40 = tpu.memref_squeeze %dma_start3A_39 : memref<1x128x80xi32, #tpu.memory_space<hbm>> -> memref<128x80xi32, #tpu.memory_space<hbm>>
      %dma_start3A_41 = arith.constant 0 : i32
      %dma_start3A_42 = arith.constant 0 : i32
      %dma_start3A_43 = tpu.memref_slice %arg3[%arg1, %dma_start3A_41, %dma_start3A_42] : memref<16x128x80xi32, #tpu.memory_space<hbm>> -> memref<1x128x80xi32, #tpu.memory_space<hbm>>
      %dma_start3A_44 = tpu.memref_squeeze %dma_start3A_43 : memref<1x128x80xi32, #tpu.memory_space<hbm>> -> memref<128x80xi32, #tpu.memory_space<hbm>>
      tpu.enqueue_dma source(%dma_start3A_44 : memref<128x80xi32, #tpu.memory_space<hbm>>) target(%arg7 : memref<128x80xi32, #tpu.memory_space<vmem>>) target_semaphore(%run_scoped3A : memref<!tpu.dma_semaphore, #tpu.memory_space<semaphore_mem>>)
      %dma_wait3A = arith.constant 0 : i32
      %dma_wait3A_45 = arith.constant 0 : i32
      %dma_wait3A_46 = tpu.memref_slice %arg3[%arg1, %dma_wait3A, %dma_wait3A_45] : memref<16x128x80xi32, #tpu.memory_space<hbm>> -> memref<1x128x80xi32, #tpu.memory_space<hbm>>
      %dma_wait3A_47 = tpu.memref_squeeze %dma_wait3A_46 : memref<1x128x80xi32, #tpu.memory_space<hbm>> -> memref<128x80xi32, #tpu.memory_space<hbm>>
      %dma_wait3A_48 = arith.constant 0 : i32
      %dma_wait3A_49 = arith.constant 0 : i32
      %dma_wait3A_50 = tpu.memref_slice %arg3[%arg1, %dma_wait3A_48, %dma_wait3A_49] : memref<16x128x80xi32, #tpu.memory_space<hbm>> -> memref<1x128x80xi32, #tpu.memory_space<hbm>>
      %dma_wait3A_51 = tpu.memref_squeeze %dma_wait3A_50 : memref<1x128x80xi32, #tpu.memory_space<hbm>> -> memref<128x80xi32, #tpu.memory_space<hbm>>
      tpu.wait_dma2 semaphore(%run_scoped3A : memref<!tpu.dma_semaphore, #tpu.memory_space<semaphore_mem>>) src(%dma_wait3A_51 : memref<128x80xi32, #tpu.memory_space<hbm>>) dst(%arg7 : memref<128x80xi32, #tpu.memory_space<vmem>>)
      tpu.yield
    }) : () -> ()
    "tpu.region"() ({
      %run_scoped3A = tpu.sem_alloc : memref<!tpu.dma_semaphore, #tpu.memory_space<semaphore_mem>>
      %dma_start3A = arith.constant 0 : i32
      %dma_start3A_38 = arith.constant 0 : i32
      %dma_start3A_39 = tpu.memref_slice %arg4[%arg1, %dma_start3A, %dma_start3A_38] : memref<16x128x80xi32, #tpu.memory_space<hbm>> -> memref<1x128x80xi32, #tpu.memory_space<hbm>>
      %dma_start3A_40 = tpu.memref_squeeze %dma_start3A_39 : memref<1x128x80xi32, #tpu.memory_space<hbm>> -> memref<128x80xi32, #tpu.memory_space<hbm>>
      %dma_start3A_41 = arith.constant 0 : i32
      %dma_start3A_42 = arith.constant 0 : i32
      %dma_start3A_43 = tpu.memref_slice %arg4[%arg1, %dma_start3A_41, %dma_start3A_42] : memref<16x128x80xi32, #tpu.memory_space<hbm>> -> memref<1x128x80xi32, #tpu.memory_space<hbm>>
      %dma_start3A_44 = tpu.memref_squeeze %dma_start3A_43 : memref<1x128x80xi32, #tpu.memory_space<hbm>> -> memref<128x80xi32, #tpu.memory_space<hbm>>
      tpu.enqueue_dma source(%dma_start3A_44 : memref<128x80xi32, #tpu.memory_space<hbm>>) target(%arg8 : memref<128x80xi32, #tpu.memory_space<vmem>>) target_semaphore(%run_scoped3A : memref<!tpu.dma_semaphore, #tpu.memory_space<semaphore_mem>>)
      %dma_wait3A = arith.constant 0 : i32
      %dma_wait3A_45 = arith.constant 0 : i32
      %dma_wait3A_46 = tpu.memref_slice %arg4[%arg1, %dma_wait3A, %dma_wait3A_45] : memref<16x128x80xi32, #tpu.memory_space<hbm>> -> memref<1x128x80xi32, #tpu.memory_space<hbm>>
      %dma_wait3A_47 = tpu.memref_squeeze %dma_wait3A_46 : memref<1x128x80xi32, #tpu.memory_space<hbm>> -> memref<128x80xi32, #tpu.memory_space<hbm>>
      %dma_wait3A_48 = arith.constant 0 : i32
      %dma_wait3A_49 = arith.constant 0 : i32
      %dma_wait3A_50 = tpu.memref_slice %arg4[%arg1, %dma_wait3A_48, %dma_wait3A_49] : memref<16x128x80xi32, #tpu.memory_space<hbm>> -> memref<1x128x80xi32, #tpu.memory_space<hbm>>
      %dma_wait3A_51 = tpu.memref_squeeze %dma_wait3A_50 : memref<1x128x80xi32, #tpu.memory_space<hbm>> -> memref<128x80xi32, #tpu.memory_space<hbm>>
      tpu.wait_dma2 semaphore(%run_scoped3A : memref<!tpu.dma_semaphore, #tpu.memory_space<semaphore_mem>>) src(%dma_wait3A_51 : memref<128x80xi32, #tpu.memory_space<hbm>>) dst(%arg8 : memref<128x80xi32, #tpu.memory_space<vmem>>)
      tpu.yield
    }) : () -> ()
    %mul3A = arith.constant 2 : i32
    %mul3A_0 = arith.muli %arg0, %mul3A : i32
    %add3A = arith.constant 0 : i32
    %add3A_1 = arith.addi %mul3A_0, %add3A : i32
    %mul3A_2 = arith.constant 640 : i32
    %mul3A_3 = arith.muli %arg1, %mul3A_2 : i32
    %mul3A_4 = arith.constant 640 : i32
    %mul3A_5 = arith.muli %arg1, %mul3A_4 : i32
    "tpu.region"() ({
      %run_scoped3A = tpu.sem_alloc : memref<!tpu.dma_semaphore, #tpu.memory_space<semaphore_mem>>
      %dma_start3A = arith.constant 0 : i32
      %dma_start3A_38 = tpu.memref_slice %arg6[%mul3A_5, %dma_start3A] : memref<10240x128xf32, #tpu.memory_space<vmem_shared>> -> memref<640x128xf32, #tpu.memory_space<vmem_shared>>
      %dma_start3A_39 = arith.constant 0 : i32
      %dma_start3A_40 = arith.constant 0 : i32
      %dma_start3A_41 = tpu.memref_slice %arg2[%add3A_1, %dma_start3A_39, %dma_start3A_40] : memref<4x10240x128xf32, #tpu.memory_space<hbm>> -> memref<1x10240x128xf32, #tpu.memory_space<hbm>>
      %dma_start3A_42 = tpu.memref_squeeze %dma_start3A_41 : memref<1x10240x128xf32, #tpu.memory_space<hbm>> -> memref<10240x128xf32, #tpu.memory_space<hbm>>
      %dma_start3A_43 = arith.constant 0 : i32
      %dma_start3A_44 = tpu.memref_slice %dma_start3A_42[%mul3A_3, %dma_start3A_43] : memref<10240x128xf32, #tpu.memory_space<hbm>> -> memref<640x128xf32, #tpu.memory_space<hbm>>
      tpu.enqueue_dma source(%dma_start3A_44 : memref<640x128xf32, #tpu.memory_space<hbm>>) target(%dma_start3A_38 : memref<640x128xf32, #tpu.memory_space<vmem_shared>>) target_semaphore(%run_scoped3A : memref<!tpu.dma_semaphore, #tpu.memory_space<semaphore_mem>>)
      %dma_wait3A = arith.constant 0 : i32
      %dma_wait3A_45 = tpu.memref_slice %arg6[%mul3A_5, %dma_wait3A] : memref<10240x128xf32, #tpu.memory_space<vmem_shared>> -> memref<640x128xf32, #tpu.memory_space<vmem_shared>>
      %dma_wait3A_46 = arith.constant 0 : i32
      %dma_wait3A_47 = arith.constant 0 : i32
      %dma_wait3A_48 = tpu.memref_slice %arg2[%add3A_1, %dma_wait3A_46, %dma_wait3A_47] : memref<4x10240x128xf32, #tpu.memory_space<hbm>> -> memref<1x10240x128xf32, #tpu.memory_space<hbm>>
      %dma_wait3A_49 = tpu.memref_squeeze %dma_wait3A_48 : memref<1x10240x128xf32, #tpu.memory_space<hbm>> -> memref<10240x128xf32, #tpu.memory_space<hbm>>
      %dma_wait3A_50 = arith.constant 0 : i32
      %dma_wait3A_51 = tpu.memref_slice %dma_wait3A_49[%mul3A_3, %dma_wait3A_50] : memref<10240x128xf32, #tpu.memory_space<hbm>> -> memref<640x128xf32, #tpu.memory_space<hbm>>
      tpu.wait_dma2 semaphore(%run_scoped3A : memref<!tpu.dma_semaphore, #tpu.memory_space<semaphore_mem>>) src(%dma_wait3A_51 : memref<640x128xf32, #tpu.memory_space<hbm>>) dst(%dma_wait3A_45 : memref<640x128xf32, #tpu.memory_space<vmem_shared>>)
      tpu.yield
    }) : () -> ()
    %barrier3A = arith.constant 0 : index
    tpu.barrier barrier_id(%barrier3A)
    %scan3A = arith.constant 0 : i32
    %scan3A_6 = arith.constant 0 : i32
    %scan3A_7 = arith.constant 128 : i32
    %scan3A_8 = arith.addi %scan3A_6, %scan3A_7 : i32
    %scan3A_9 = arith.constant 1 : i32
    scf.for %scan3A_38 = %scan3A_6 to %scan3A_8 step %scan3A_9  : i32 {
      %dma_start3A = arith.constant 0 : i32
      %dma_start3A_39 = tpu.memref_slice %arg7[%scan3A_38, %dma_start3A] : memref<128x80xi32, #tpu.memory_space<vmem>> -> memref<1x80xi32, #tpu.memory_space<vmem>>
      %dma_start3A_40 = tpu.memref_squeeze %dma_start3A_39 : memref<1x80xi32, #tpu.memory_space<vmem>> -> memref<80xi32, #tpu.memory_space<vmem>>
      %dma_start3A_41 = arith.constant 0 : i32
      %dma_start3A_42 = arith.constant 0 : i32
      %dma_start3A_43 = tpu.memref_slice %arg2[%add3A_1, %dma_start3A_41, %dma_start3A_42] : memref<4x10240x128xf32, #tpu.memory_space<hbm>> -> memref<1x10240x128xf32, #tpu.memory_space<hbm>>
      %dma_start3A_44 = tpu.memref_squeeze %dma_start3A_43 : memref<1x10240x128xf32, #tpu.memory_space<hbm>> -> memref<10240x128xf32, #tpu.memory_space<hbm>>
      %dma_start3A_45 = arith.constant 0 : i32
      %dma_start3A_46 = arith.constant 0 : i32
      %dma_start3A_47 = tpu.memref_slice %dma_start3A_44[%dma_start3A_45, %dma_start3A_46] : memref<10240x128xf32, #tpu.memory_space<hbm>> -> memref<10240x128xf32, #tpu.memory_space<hbm>>
      tpu.enqueue_indirect_dma source(%dma_start3A_47 : memref<10240x128xf32, #tpu.memory_space<hbm>>) target(%arg9 : memref<80x128xf32, #tpu.memory_space<vmem>>) offsets(%dma_start3A_40 : memref<80xi32, #tpu.memory_space<vmem>>) semaphore(%arg10 : memref<!tpu.dma_semaphore, #tpu.memory_space<semaphore_mem>>)
      %dma_wait3A = arith.constant 0 : i32
      %dma_wait3A_48 = tpu.memref_slice %arg7[%scan3A_38, %dma_wait3A] : memref<128x80xi32, #tpu.memory_space<vmem>> -> memref<1x80xi32, #tpu.memory_space<vmem>>
      %dma_wait3A_49 = tpu.memref_squeeze %dma_wait3A_48 : memref<1x80xi32, #tpu.memory_space<vmem>> -> memref<80xi32, #tpu.memory_space<vmem>>
      %dma_wait3A_50 = arith.constant 0 : i32
      %dma_wait3A_51 = arith.constant 0 : i32
      %dma_wait3A_52 = tpu.memref_slice %arg2[%add3A_1, %dma_wait3A_50, %dma_wait3A_51] : memref<4x10240x128xf32, #tpu.memory_space<hbm>> -> memref<1x10240x128xf32, #tpu.memory_space<hbm>>
      %dma_wait3A_53 = tpu.memref_squeeze %dma_wait3A_52 : memref<1x10240x128xf32, #tpu.memory_space<hbm>> -> memref<10240x128xf32, #tpu.memory_space<hbm>>
      %dma_wait3A_54 = arith.constant 0 : i32
      %dma_wait3A_55 = arith.constant 0 : i32
      %dma_wait3A_56 = tpu.memref_slice %dma_wait3A_53[%dma_wait3A_54, %dma_wait3A_55] : memref<10240x128xf32, #tpu.memory_space<hbm>> -> memref<10240x128xf32, #tpu.memory_space<hbm>>
      tpu.wait_indirect_dma semaphore(%arg10 : memref<!tpu.dma_semaphore, #tpu.memory_space<semaphore_mem>>) src(%dma_wait3A_56 : memref<10240x128xf32, #tpu.memory_space<hbm>>) dst(%arg9 : memref<80x128xf32, #tpu.memory_space<vmem>>)
      "tpu.region"() ({
        %run_scoped3A = tpu.sem_alloc : memref<!tpu.dma_semaphore, #tpu.memory_space<semaphore_mem>>
        %dma_start3A_57 = arith.constant 0 : i32
        %dma_start3A_58 = tpu.memref_slice %arg8[%scan3A_38, %dma_start3A_57] : memref<128x80xi32, #tpu.memory_space<vmem>> -> memref<1x80xi32, #tpu.memory_space<vmem>>
        %dma_start3A_59 = tpu.memref_squeeze %dma_start3A_58 : memref<1x80xi32, #tpu.memory_space<vmem>> -> memref<80xi32, #tpu.memory_space<vmem>>
        %dma_start3A_60 = arith.constant 0 : i32
        %dma_start3A_61 = arith.constant 0 : i32
        %dma_start3A_62 = tpu.memref_slice %arg6[%dma_start3A_60, %dma_start3A_61] : memref<10240x128xf32, #tpu.memory_space<vmem_shared>> -> memref<10240x128xf32, #tpu.memory_space<vmem_shared>>
        tpu.enqueue_indirect_dma source(%arg9 : memref<80x128xf32, #tpu.memory_space<vmem>>) target(%dma_start3A_62 : memref<10240x128xf32, #tpu.memory_space<vmem_shared>>) offsets(%dma_start3A_59 : memref<80xi32, #tpu.memory_space<vmem>>) semaphore(%run_scoped3A : memref<!tpu.dma_semaphore, #tpu.memory_space<semaphore_mem>>) {add = true}
        %dma_wait3A_63 = arith.constant 0 : i32
        %dma_wait3A_64 = tpu.memref_slice %arg8[%scan3A_38, %dma_wait3A_63] : memref<128x80xi32, #tpu.memory_space<vmem>> -> memref<1x80xi32, #tpu.memory_space<vmem>>
        %dma_wait3A_65 = tpu.memref_squeeze %dma_wait3A_64 : memref<1x80xi32, #tpu.memory_space<vmem>> -> memref<80xi32, #tpu.memory_space<vmem>>
        %dma_wait3A_66 = arith.constant 0 : i32
        %dma_wait3A_67 = arith.constant 0 : i32
        %dma_wait3A_68 = tpu.memref_slice %arg6[%dma_wait3A_66, %dma_wait3A_67] : memref<10240x128xf32, #tpu.memory_space<vmem_shared>> -> memref<10240x128xf32, #tpu.memory_space<vmem_shared>>
        tpu.wait_indirect_dma semaphore(%run_scoped3A : memref<!tpu.dma_semaphore, #tpu.memory_space<semaphore_mem>>) src(%arg9 : memref<80x128xf32, #tpu.memory_space<vmem>>) dst(%dma_wait3A_68 : memref<10240x128xf32, #tpu.memory_space<vmem_shared>>)
        tpu.yield
      }) : () -> ()
    }
    %scan3A_10 = arith.constant 128 : i32
    %barrier3A_11 = arith.constant 0 : index
    tpu.barrier barrier_id(%barrier3A_11)
    %mul3A_12 = arith.constant 640 : i32
    %mul3A_13 = arith.muli %arg1, %mul3A_12 : i32
    %mul3A_14 = arith.constant 640 : i32
    %mul3A_15 = arith.muli %arg1, %mul3A_14 : i32
    "tpu.region"() ({
      %run_scoped3A = tpu.sem_alloc : memref<!tpu.dma_semaphore, #tpu.memory_space<semaphore_mem>>
      %dma_start3A = arith.constant 0 : i32
      %dma_start3A_38 = tpu.memref_slice %arg5[%add3A_1, %mul3A_15, %dma_start3A] : memref<4x10240x128xf32, #tpu.memory_space<hbm>> -> memref<1x640x128xf32, #tpu.memory_space<hbm>>
      %dma_start3A_39 = tpu.memref_squeeze %dma_start3A_38 : memref<1x640x128xf32, #tpu.memory_space<hbm>> -> memref<640x128xf32, #tpu.memory_space<hbm>>
      %dma_start3A_40 = arith.constant 0 : i32
      %dma_start3A_41 = tpu.memref_slice %arg6[%mul3A_13, %dma_start3A_40] : memref<10240x128xf32, #tpu.memory_space<vmem_shared>> -> memref<640x128xf32, #tpu.memory_space<vmem_shared>>
      tpu.enqueue_dma source(%dma_start3A_41 : memref<640x128xf32, #tpu.memory_space<vmem_shared>>) target(%dma_start3A_39 : memref<640x128xf32, #tpu.memory_space<hbm>>) target_semaphore(%run_scoped3A : memref<!tpu.dma_semaphore, #tpu.memory_space<semaphore_mem>>)
      %dma_wait3A = arith.constant 0 : i32
      %dma_wait3A_42 = tpu.memref_slice %arg5[%add3A_1, %mul3A_15, %dma_wait3A] : memref<4x10240x128xf32, #tpu.memory_space<hbm>> -> memref<1x640x128xf32, #tpu.memory_space<hbm>>
      %dma_wait3A_43 = tpu.memref_squeeze %dma_wait3A_42 : memref<1x640x128xf32, #tpu.memory_space<hbm>> -> memref<640x128xf32, #tpu.memory_space<hbm>>
      %dma_wait3A_44 = arith.constant 0 : i32
      %dma_wait3A_45 = tpu.memref_slice %arg6[%mul3A_13, %dma_wait3A_44] : memref<10240x128xf32, #tpu.memory_space<vmem_shared>> -> memref<640x128xf32, #tpu.memory_space<vmem_shared>>
      tpu.wait_dma2 semaphore(%run_scoped3A : memref<!tpu.dma_semaphore, #tpu.memory_space<semaphore_mem>>) src(%dma_wait3A_45 : memref<640x128xf32, #tpu.memory_space<vmem_shared>>) dst(%dma_wait3A_43 : memref<640x128xf32, #tpu.memory_space<hbm>>)
      tpu.yield
    }) : () -> ()
    %barrier3A_16 = arith.constant 0 : index
    tpu.barrier barrier_id(%barrier3A_16)
    %mul3A_17 = arith.constant 2 : i32
    %mul3A_18 = arith.muli %arg0, %mul3A_17 : i32
    %add3A_19 = arith.constant 1 : i32
    %add3A_20 = arith.addi %mul3A_18, %add3A_19 : i32
    %mul3A_21 = arith.constant 640 : i32
    %mul3A_22 = arith.muli %arg1, %mul3A_21 : i32
    %mul3A_23 = arith.constant 640 : i32
    %mul3A_24 = arith.muli %arg1, %mul3A_23 : i32
    "tpu.region"() ({
      %run_scoped3A = tpu.sem_alloc : memref<!tpu.dma_semaphore, #tpu.memory_space<semaphore_mem>>
      %dma_start3A = arith.constant 0 : i32
      %dma_start3A_38 = tpu.memref_slice %arg6[%mul3A_24, %dma_start3A] : memref<10240x128xf32, #tpu.memory_space<vmem_shared>> -> memref<640x128xf32, #tpu.memory_space<vmem_shared>>
      %dma_start3A_39 = arith.constant 0 : i32
      %dma_start3A_40 = arith.constant 0 : i32
      %dma_start3A_41 = tpu.memref_slice %arg2[%add3A_20, %dma_start3A_39, %dma_start3A_40] : memref<4x10240x128xf32, #tpu.memory_space<hbm>> -> memref<1x10240x128xf32, #tpu.memory_space<hbm>>
      %dma_start3A_42 = tpu.memref_squeeze %dma_start3A_41 : memref<1x10240x128xf32, #tpu.memory_space<hbm>> -> memref<10240x128xf32, #tpu.memory_space<hbm>>
      %dma_start3A_43 = arith.constant 0 : i32
      %dma_start3A_44 = tpu.memref_slice %dma_start3A_42[%mul3A_22, %dma_start3A_43] : memref<10240x128xf32, #tpu.memory_space<hbm>> -> memref<640x128xf32, #tpu.memory_space<hbm>>
      tpu.enqueue_dma source(%dma_start3A_44 : memref<640x128xf32, #tpu.memory_space<hbm>>) target(%dma_start3A_38 : memref<640x128xf32, #tpu.memory_space<vmem_shared>>) target_semaphore(%run_scoped3A : memref<!tpu.dma_semaphore, #tpu.memory_space<semaphore_mem>>)
      %dma_wait3A = arith.constant 0 : i32
      %dma_wait3A_45 = tpu.memref_slice %arg6[%mul3A_24, %dma_wait3A] : memref<10240x128xf32, #tpu.memory_space<vmem_shared>> -> memref<640x128xf32, #tpu.memory_space<vmem_shared>>
      %dma_wait3A_46 = arith.constant 0 : i32
      %dma_wait3A_47 = arith.constant 0 : i32
      %dma_wait3A_48 = tpu.memref_slice %arg2[%add3A_20, %dma_wait3A_46, %dma_wait3A_47] : memref<4x10240x128xf32, #tpu.memory_space<hbm>> -> memref<1x10240x128xf32, #tpu.memory_space<hbm>>
      %dma_wait3A_49 = tpu.memref_squeeze %dma_wait3A_48 : memref<1x10240x128xf32, #tpu.memory_space<hbm>> -> memref<10240x128xf32, #tpu.memory_space<hbm>>
      %dma_wait3A_50 = arith.constant 0 : i32
      %dma_wait3A_51 = tpu.memref_slice %dma_wait3A_49[%mul3A_22, %dma_wait3A_50] : memref<10240x128xf32, #tpu.memory_space<hbm>> -> memref<640x128xf32, #tpu.memory_space<hbm>>
      tpu.wait_dma2 semaphore(%run_scoped3A : memref<!tpu.dma_semaphore, #tpu.memory_space<semaphore_mem>>) src(%dma_wait3A_51 : memref<640x128xf32, #tpu.memory_space<hbm>>) dst(%dma_wait3A_45 : memref<640x128xf32, #tpu.memory_space<vmem_shared>>)
      tpu.yield
    }) : () -> ()
    %barrier3A_25 = arith.constant 0 : index
    tpu.barrier barrier_id(%barrier3A_25)
    %scan3A_26 = arith.constant 0 : i32
    %scan3A_27 = arith.constant 0 : i32
    %scan3A_28 = arith.constant 128 : i32
    %scan3A_29 = arith.addi %scan3A_27, %scan3A_28 : i32
    %scan3A_30 = arith.constant 1 : i32
    scf.for %scan3A_38 = %scan3A_27 to %scan3A_29 step %scan3A_30  : i32 {
      %dma_start3A = arith.constant 0 : i32
      %dma_start3A_39 = tpu.memref_slice %arg7[%scan3A_38, %dma_start3A] : memref<128x80xi32, #tpu.memory_space<vmem>> -> memref<1x80xi32, #tpu.memory_space<vmem>>
      %dma_start3A_40 = tpu.memref_squeeze %dma_start3A_39 : memref<1x80xi32, #tpu.memory_space<vmem>> -> memref<80xi32, #tpu.memory_space<vmem>>
      %dma_start3A_41 = arith.constant 0 : i32
      %dma_start3A_42 = arith.constant 0 : i32
      %dma_start3A_43 = tpu.memref_slice %arg2[%add3A_20, %dma_start3A_41, %dma_start3A_42] : memref<4x10240x128xf32, #tpu.memory_space<hbm>> -> memref<1x10240x128xf32, #tpu.memory_space<hbm>>
      %dma_start3A_44 = tpu.memref_squeeze %dma_start3A_43 : memref<1x10240x128xf32, #tpu.memory_space<hbm>> -> memref<10240x128xf32, #tpu.memory_space<hbm>>
      %dma_start3A_45 = arith.constant 0 : i32
      %dma_start3A_46 = arith.constant 0 : i32
      %dma_start3A_47 = tpu.memref_slice %dma_start3A_44[%dma_start3A_45, %dma_start3A_46] : memref<10240x128xf32, #tpu.memory_space<hbm>> -> memref<10240x128xf32, #tpu.memory_space<hbm>>
      tpu.enqueue_indirect_dma source(%dma_start3A_47 : memref<10240x128xf32, #tpu.memory_space<hbm>>) target(%arg9 : memref<80x128xf32, #tpu.memory_space<vmem>>) offsets(%dma_start3A_40 : memref<80xi32, #tpu.memory_space<vmem>>) semaphore(%arg10 : memref<!tpu.dma_semaphore, #tpu.memory_space<semaphore_mem>>)
      %dma_wait3A = arith.constant 0 : i32
      %dma_wait3A_48 = tpu.memref_slice %arg7[%scan3A_38, %dma_wait3A] : memref<128x80xi32, #tpu.memory_space<vmem>> -> memref<1x80xi32, #tpu.memory_space<vmem>>
      %dma_wait3A_49 = tpu.memref_squeeze %dma_wait3A_48 : memref<1x80xi32, #tpu.memory_space<vmem>> -> memref<80xi32, #tpu.memory_space<vmem>>
      %dma_wait3A_50 = arith.constant 0 : i32
      %dma_wait3A_51 = arith.constant 0 : i32
      %dma_wait3A_52 = tpu.memref_slice %arg2[%add3A_20, %dma_wait3A_50, %dma_wait3A_51] : memref<4x10240x128xf32, #tpu.memory_space<hbm>> -> memref<1x10240x128xf32, #tpu.memory_space<hbm>>
      %dma_wait3A_53 = tpu.memref_squeeze %dma_wait3A_52 : memref<1x10240x128xf32, #tpu.memory_space<hbm>> -> memref<10240x128xf32, #tpu.memory_space<hbm>>
      %dma_wait3A_54 = arith.constant 0 : i32
      %dma_wait3A_55 = arith.constant 0 : i32
      %dma_wait3A_56 = tpu.memref_slice %dma_wait3A_53[%dma_wait3A_54, %dma_wait3A_55] : memref<10240x128xf32, #tpu.memory_space<hbm>> -> memref<10240x128xf32, #tpu.memory_space<hbm>>
      tpu.wait_indirect_dma semaphore(%arg10 : memref<!tpu.dma_semaphore, #tpu.memory_space<semaphore_mem>>) src(%dma_wait3A_56 : memref<10240x128xf32, #tpu.memory_space<hbm>>) dst(%arg9 : memref<80x128xf32, #tpu.memory_space<vmem>>)
      "tpu.region"() ({
        %run_scoped3A = tpu.sem_alloc : memref<!tpu.dma_semaphore, #tpu.memory_space<semaphore_mem>>
        %dma_start3A_57 = arith.constant 0 : i32
        %dma_start3A_58 = tpu.memref_slice %arg8[%scan3A_38, %dma_start3A_57] : memref<128x80xi32, #tpu.memory_space<vmem>> -> memref<1x80xi32, #tpu.memory_space<vmem>>
        %dma_start3A_59 = tpu.memref_squeeze %dma_start3A_58 : memref<1x80xi32, #tpu.memory_space<vmem>> -> memref<80xi32, #tpu.memory_space<vmem>>
        %dma_start3A_60 = arith.constant 0 : i32
        %dma_start3A_61 = arith.constant 0 : i32
        %dma_start3A_62 = tpu.memref_slice %arg6[%dma_start3A_60, %dma_start3A_61] : memref<10240x128xf32, #tpu.memory_space<vmem_shared>> -> memref<10240x128xf32, #tpu.memory_space<vmem_shared>>
        tpu.enqueue_indirect_dma source(%arg9 : memref<80x128xf32, #tpu.memory_space<vmem>>) target(%dma_start3A_62 : memref<10240x128xf32, #tpu.memory_space<vmem_shared>>) offsets(%dma_start3A_59 : memref<80xi32, #tpu.memory_space<vmem>>) semaphore(%run_scoped3A : memref<!tpu.dma_semaphore, #tpu.memory_space<semaphore_mem>>) {add = true}
        %dma_wait3A_63 = arith.constant 0 : i32
        %dma_wait3A_64 = tpu.memref_slice %arg8[%scan3A_38, %dma_wait3A_63] : memref<128x80xi32, #tpu.memory_space<vmem>> -> memref<1x80xi32, #tpu.memory_space<vmem>>
        %dma_wait3A_65 = tpu.memref_squeeze %dma_wait3A_64 : memref<1x80xi32, #tpu.memory_space<vmem>> -> memref<80xi32, #tpu.memory_space<vmem>>
        %dma_wait3A_66 = arith.constant 0 : i32
        %dma_wait3A_67 = arith.constant 0 : i32
        %dma_wait3A_68 = tpu.memref_slice %arg6[%dma_wait3A_66, %dma_wait3A_67] : memref<10240x128xf32, #tpu.memory_space<vmem_shared>> -> memref<10240x128xf32, #tpu.memory_space<vmem_shared>>
        tpu.wait_indirect_dma semaphore(%run_scoped3A : memref<!tpu.dma_semaphore, #tpu.memory_space<semaphore_mem>>) src(%arg9 : memref<80x128xf32, #tpu.memory_space<vmem>>) dst(%dma_wait3A_68 : memref<10240x128xf32, #tpu.memory_space<vmem_shared>>)
        tpu.yield
      }) : () -> ()
    }
    %scan3A_31 = arith.constant 128 : i32
    %barrier3A_32 = arith.constant 0 : index
    tpu.barrier barrier_id(%barrier3A_32)
    %mul3A_33 = arith.constant 640 : i32
    %mul3A_34 = arith.muli %arg1, %mul3A_33 : i32
    %mul3A_35 = arith.constant 640 : i32
    %mul3A_36 = arith.muli %arg1, %mul3A_35 : i32
    "tpu.region"() ({
      %run_scoped3A = tpu.sem_alloc : memref<!tpu.dma_semaphore, #tpu.memory_space<semaphore_mem>>
      %dma_start3A = arith.constant 0 : i32
      %dma_start3A_38 = tpu.memref_slice %arg5[%add3A_20, %mul3A_36, %dma_start3A] : memref<4x10240x128xf32, #tpu.memory_space<hbm>> -> memref<1x640x128xf32, #tpu.memory_space<hbm>>
      %dma_start3A_39 = tpu.memref_squeeze %dma_start3A_38 : memref<1x640x128xf32, #tpu.memory_space<hbm>> -> memref<640x128xf32, #tpu.memory_space<hbm>>
      %dma_start3A_40 = arith.constant 0 : i32
      %dma_start3A_41 = tpu.memref_slice %arg6[%mul3A_34, %dma_start3A_40] : memref<10240x128xf32, #tpu.memory_space<vmem_shared>> -> memref<640x128xf32, #tpu.memory_space<vmem_shared>>
      tpu.enqueue_dma source(%dma_start3A_41 : memref<640x128xf32, #tpu.memory_space<vmem_shared>>) target(%dma_start3A_39 : memref<640x128xf32, #tpu.memory_space<hbm>>) target_semaphore(%run_scoped3A : memref<!tpu.dma_semaphore, #tpu.memory_space<semaphore_mem>>)
      %dma_wait3A = arith.constant 0 : i32
      %dma_wait3A_42 = tpu.memref_slice %arg5[%add3A_20, %mul3A_36, %dma_wait3A] : memref<4x10240x128xf32, #tpu.memory_space<hbm>> -> memref<1x640x128xf32, #tpu.memory_space<hbm>>
      %dma_wait3A_43 = tpu.memref_squeeze %dma_wait3A_42 : memref<1x640x128xf32, #tpu.memory_space<hbm>> -> memref<640x128xf32, #tpu.memory_space<hbm>>
      %dma_wait3A_44 = arith.constant 0 : i32
      %dma_wait3A_45 = tpu.memref_slice %arg6[%mul3A_34, %dma_wait3A_44] : memref<10240x128xf32, #tpu.memory_space<vmem_shared>> -> memref<640x128xf32, #tpu.memory_space<vmem_shared>>
      tpu.wait_dma2 semaphore(%run_scoped3A : memref<!tpu.dma_semaphore, #tpu.memory_space<semaphore_mem>>) src(%dma_wait3A_45 : memref<640x128xf32, #tpu.memory_space<vmem_shared>>) dst(%dma_wait3A_43 : memref<640x128xf32, #tpu.memory_space<hbm>>)
      tpu.yield
    }) : () -> ()
    %barrier3A_37 = arith.constant 0 : index
    tpu.barrier barrier_id(%barrier3A_37)
    return
  }
}

#map = affine_map<(d0, d1) -> (0, 0, 0)>
module attributes {stable_mosaic.version = 14 : i64} {
  func.func @_agg_body_impl(%arg0: i32, %arg1: i32, %arg2: memref<4x10240x128xf32, #tpu.memory_space<hbm>>, %arg3: memref<16x128x80xi32, #tpu.memory_space<hbm>>, %arg4: memref<16x128x80xi32, #tpu.memory_space<hbm>>, %arg5: memref<4x10240x128xf32, #tpu.memory_space<hbm>>, %arg6: memref<10240x128xf32, #tpu.memory_space<vmem_shared>>, %arg7: memref<128x80xi32, #tpu.memory_space<vmem>>, %arg8: memref<128x80xi32, #tpu.memory_space<vmem>>, %arg9: memref<80x128xf32, #tpu.memory_space<vmem>>, %arg10: memref<!tpu.dma_semaphore, #tpu.memory_space<semaphore_mem>>) attributes {dimension_semantics = [#tpu.dimension_semantics<core_parallel>, #tpu.dimension_semantics<subcore_parallel>], iteration_bounds = array<i64: 2, 16>, scalar_prefetch = 0 : i64, scratch_operands = 5 : i64, tpu.core_type = #tpu.core_type<sc_vector_subcore>, window_params = [{transform_indices = #map}, {transform_indices = #map}, {transform_indices = #map}, {transform_indices = #map}]} {
    "tpu.region"() ({
      %run_scoped3A = tpu.sem_alloc : memref<!tpu.dma_semaphore, #tpu.memory_space<semaphore_mem>>
      %dma_start3A = arith.constant 0 : i32
      %dma_start3A_38 = arith.constant 0 : i32
      %dma_start3A_39 = tpu.memref_slice %arg3[%arg1, %dma_start3A, %dma_start3A_38] : memref<16x128x80xi32, #tpu.memory_space<hbm>> -> memref<1x128x80xi32, #tpu.memory_space<hbm>>
      %dma_start3A_40 = tpu.memref_squeeze %dma_start3A_39 : memref<1x128x80xi32, #tpu.memory_space<hbm>> -> memref<128x80xi32, #tpu.memory_space<hbm>>
      %dma_start3A_41 = arith.constant 0 : i32
      %dma_start3A_42 = arith.constant 0 : i32
      %dma_start3A_43 = tpu.memref_slice %arg3[%arg1, %dma_start3A_41, %dma_start3A_42] : memref<16x128x80xi32, #tpu.memory_space<hbm>> -> memref<1x128x80xi32, #tpu.memory_space<hbm>>
      %dma_start3A_44 = tpu.memref_squeeze %dma_start3A_43 : memref<1x128x80xi32, #tpu.memory_space<hbm>> -> memref<128x80xi32, #tpu.memory_space<hbm>>
      tpu.enqueue_dma source(%dma_start3A_44 : memref<128x80xi32, #tpu.memory_space<hbm>>) target(%arg7 : memref<128x80xi32, #tpu.memory_space<vmem>>) target_semaphore(%run_scoped3A : memref<!tpu.dma_semaphore, #tpu.memory_space<semaphore_mem>>)
      %dma_wait3A = arith.constant 0 : i32
      %dma_wait3A_45 = arith.constant 0 : i32
      %dma_wait3A_46 = tpu.memref_slice %arg3[%arg1, %dma_wait3A, %dma_wait3A_45] : memref<16x128x80xi32, #tpu.memory_space<hbm>> -> memref<1x128x80xi32, #tpu.memory_space<hbm>>
      %dma_wait3A_47 = tpu.memref_squeeze %dma_wait3A_46 : memref<1x128x80xi32, #tpu.memory_space<hbm>> -> memref<128x80xi32, #tpu.memory_space<hbm>>
      %dma_wait3A_48 = arith.constant 0 : i32
      %dma_wait3A_49 = arith.constant 0 : i32
      %dma_wait3A_50 = tpu.memref_slice %arg3[%arg1, %dma_wait3A_48, %dma_wait3A_49] : memref<16x128x80xi32, #tpu.memory_space<hbm>> -> memref<1x128x80xi32, #tpu.memory_space<hbm>>
      %dma_wait3A_51 = tpu.memref_squeeze %dma_wait3A_50 : memref<1x128x80xi32, #tpu.memory_space<hbm>> -> memref<128x80xi32, #tpu.memory_space<hbm>>
      tpu.wait_dma2 semaphore(%run_scoped3A : memref<!tpu.dma_semaphore, #tpu.memory_space<semaphore_mem>>) src(%dma_wait3A_51 : memref<128x80xi32, #tpu.memory_space<hbm>>) dst(%arg7 : memref<128x80xi32, #tpu.memory_space<vmem>>)
      tpu.yield
    }) : () -> ()
    "tpu.region"() ({
      %run_scoped3A = tpu.sem_alloc : memref<!tpu.dma_semaphore, #tpu.memory_space<semaphore_mem>>
      %dma_start3A = arith.constant 0 : i32
      %dma_start3A_38 = arith.constant 0 : i32
      %dma_start3A_39 = tpu.memref_slice %arg4[%arg1, %dma_start3A, %dma_start3A_38] : memref<16x128x80xi32, #tpu.memory_space<hbm>> -> memref<1x128x80xi32, #tpu.memory_space<hbm>>
      %dma_start3A_40 = tpu.memref_squeeze %dma_start3A_39 : memref<1x128x80xi32, #tpu.memory_space<hbm>> -> memref<128x80xi32, #tpu.memory_space<hbm>>
      %dma_start3A_41 = arith.constant 0 : i32
      %dma_start3A_42 = arith.constant 0 : i32
      %dma_start3A_43 = tpu.memref_slice %arg4[%arg1, %dma_start3A_41, %dma_start3A_42] : memref<16x128x80xi32, #tpu.memory_space<hbm>> -> memref<1x128x80xi32, #tpu.memory_space<hbm>>
      %dma_start3A_44 = tpu.memref_squeeze %dma_start3A_43 : memref<1x128x80xi32, #tpu.memory_space<hbm>> -> memref<128x80xi32, #tpu.memory_space<hbm>>
      tpu.enqueue_dma source(%dma_start3A_44 : memref<128x80xi32, #tpu.memory_space<hbm>>) target(%arg8 : memref<128x80xi32, #tpu.memory_space<vmem>>) target_semaphore(%run_scoped3A : memref<!tpu.dma_semaphore, #tpu.memory_space<semaphore_mem>>)
      %dma_wait3A = arith.constant 0 : i32
      %dma_wait3A_45 = arith.constant 0 : i32
      %dma_wait3A_46 = tpu.memref_slice %arg4[%arg1, %dma_wait3A, %dma_wait3A_45] : memref<16x128x80xi32, #tpu.memory_space<hbm>> -> memref<1x128x80xi32, #tpu.memory_space<hbm>>
      %dma_wait3A_47 = tpu.memref_squeeze %dma_wait3A_46 : memref<1x128x80xi32, #tpu.memory_space<hbm>> -> memref<128x80xi32, #tpu.memory_space<hbm>>
      %dma_wait3A_48 = arith.constant 0 : i32
      %dma_wait3A_49 = arith.constant 0 : i32
      %dma_wait3A_50 = tpu.memref_slice %arg4[%arg1, %dma_wait3A_48, %dma_wait3A_49] : memref<16x128x80xi32, #tpu.memory_space<hbm>> -> memref<1x128x80xi32, #tpu.memory_space<hbm>>
      %dma_wait3A_51 = tpu.memref_squeeze %dma_wait3A_50 : memref<1x128x80xi32, #tpu.memory_space<hbm>> -> memref<128x80xi32, #tpu.memory_space<hbm>>
      tpu.wait_dma2 semaphore(%run_scoped3A : memref<!tpu.dma_semaphore, #tpu.memory_space<semaphore_mem>>) src(%dma_wait3A_51 : memref<128x80xi32, #tpu.memory_space<hbm>>) dst(%arg8 : memref<128x80xi32, #tpu.memory_space<vmem>>)
      tpu.yield
    }) : () -> ()
    %mul3A = arith.constant 2 : i32
    %mul3A_0 = arith.muli %arg0, %mul3A : i32
    %add3A = arith.constant 0 : i32
    %add3A_1 = arith.addi %mul3A_0, %add3A : i32
    %mul3A_2 = arith.constant 640 : i32
    %mul3A_3 = arith.muli %arg1, %mul3A_2 : i32
    %mul3A_4 = arith.constant 640 : i32
    %mul3A_5 = arith.muli %arg1, %mul3A_4 : i32
    "tpu.region"() ({
      %run_scoped3A = tpu.sem_alloc : memref<!tpu.dma_semaphore, #tpu.memory_space<semaphore_mem>>
      %dma_start3A = arith.constant 0 : i32
      %dma_start3A_38 = tpu.memref_slice %arg6[%mul3A_5, %dma_start3A] : memref<10240x128xf32, #tpu.memory_space<vmem_shared>> -> memref<640x128xf32, #tpu.memory_space<vmem_shared>>
      %dma_start3A_39 = arith.constant 0 : i32
      %dma_start3A_40 = arith.constant 0 : i32
      %dma_start3A_41 = tpu.memref_slice %arg2[%add3A_1, %dma_start3A_39, %dma_start3A_40] : memref<4x10240x128xf32, #tpu.memory_space<hbm>> -> memref<1x10240x128xf32, #tpu.memory_space<hbm>>
      %dma_start3A_42 = tpu.memref_squeeze %dma_start3A_41 : memref<1x10240x128xf32, #tpu.memory_space<hbm>> -> memref<10240x128xf32, #tpu.memory_space<hbm>>
      %dma_start3A_43 = arith.constant 0 : i32
      %dma_start3A_44 = tpu.memref_slice %dma_start3A_42[%mul3A_3, %dma_start3A_43] : memref<10240x128xf32, #tpu.memory_space<hbm>> -> memref<640x128xf32, #tpu.memory_space<hbm>>
      tpu.enqueue_dma source(%dma_start3A_44 : memref<640x128xf32, #tpu.memory_space<hbm>>) target(%dma_start3A_38 : memref<640x128xf32, #tpu.memory_space<vmem_shared>>) target_semaphore(%run_scoped3A : memref<!tpu.dma_semaphore, #tpu.memory_space<semaphore_mem>>)
      %dma_wait3A = arith.constant 0 : i32
      %dma_wait3A_45 = tpu.memref_slice %arg6[%mul3A_5, %dma_wait3A] : memref<10240x128xf32, #tpu.memory_space<vmem_shared>> -> memref<640x128xf32, #tpu.memory_space<vmem_shared>>
      %dma_wait3A_46 = arith.constant 0 : i32
      %dma_wait3A_47 = arith.constant 0 : i32
      %dma_wait3A_48 = tpu.memref_slice %arg2[%add3A_1, %dma_wait3A_46, %dma_wait3A_47] : memref<4x10240x128xf32, #tpu.memory_space<hbm>> -> memref<1x10240x128xf32, #tpu.memory_space<hbm>>
      %dma_wait3A_49 = tpu.memref_squeeze %dma_wait3A_48 : memref<1x10240x128xf32, #tpu.memory_space<hbm>> -> memref<10240x128xf32, #tpu.memory_space<hbm>>
      %dma_wait3A_50 = arith.constant 0 : i32
      %dma_wait3A_51 = tpu.memref_slice %dma_wait3A_49[%mul3A_3, %dma_wait3A_50] : memref<10240x128xf32, #tpu.memory_space<hbm>> -> memref<640x128xf32, #tpu.memory_space<hbm>>
      tpu.wait_dma2 semaphore(%run_scoped3A : memref<!tpu.dma_semaphore, #tpu.memory_space<semaphore_mem>>) src(%dma_wait3A_51 : memref<640x128xf32, #tpu.memory_space<hbm>>) dst(%dma_wait3A_45 : memref<640x128xf32, #tpu.memory_space<vmem_shared>>)
      tpu.yield
    }) : () -> ()
    %barrier3A = arith.constant 0 : index
    tpu.barrier barrier_id(%barrier3A)
    %scan3A = arith.constant 0 : i32
    %scan3A_6 = arith.constant 0 : i32
    %scan3A_7 = arith.constant 128 : i32
    %scan3A_8 = arith.addi %scan3A_6, %scan3A_7 : i32
    %scan3A_9 = arith.constant 1 : i32
    scf.for %scan3A_38 = %scan3A_6 to %scan3A_8 step %scan3A_9  : i32 {
      %dma_start3A = arith.constant 0 : i32
      %dma_start3A_39 = tpu.memref_slice %arg7[%scan3A_38, %dma_start3A] : memref<128x80xi32, #tpu.memory_space<vmem>> -> memref<1x80xi32, #tpu.memory_space<vmem>>
      %dma_start3A_40 = tpu.memref_squeeze %dma_start3A_39 : memref<1x80xi32, #tpu.memory_space<vmem>> -> memref<80xi32, #tpu.memory_space<vmem>>
      %dma_start3A_41 = arith.constant 0 : i32
      %dma_start3A_42 = arith.constant 0 : i32
      %dma_start3A_43 = tpu.memref_slice %arg2[%add3A_1, %dma_start3A_41, %dma_start3A_42] : memref<4x10240x128xf32, #tpu.memory_space<hbm>> -> memref<1x10240x128xf32, #tpu.memory_space<hbm>>
      %dma_start3A_44 = tpu.memref_squeeze %dma_start3A_43 : memref<1x10240x128xf32, #tpu.memory_space<hbm>> -> memref<10240x128xf32, #tpu.memory_space<hbm>>
      %dma_start3A_45 = arith.constant 0 : i32
      %dma_start3A_46 = arith.constant 0 : i32
      %dma_start3A_47 = tpu.memref_slice %dma_start3A_44[%dma_start3A_45, %dma_start3A_46] : memref<10240x128xf32, #tpu.memory_space<hbm>> -> memref<10240x128xf32, #tpu.memory_space<hbm>>
      tpu.enqueue_indirect_dma source(%dma_start3A_47 : memref<10240x128xf32, #tpu.memory_space<hbm>>) target(%arg9 : memref<80x128xf32, #tpu.memory_space<vmem>>) offsets(%dma_start3A_40 : memref<80xi32, #tpu.memory_space<vmem>>) semaphore(%arg10 : memref<!tpu.dma_semaphore, #tpu.memory_space<semaphore_mem>>)
      %dma_wait3A = arith.constant 0 : i32
      %dma_wait3A_48 = tpu.memref_slice %arg7[%scan3A_38, %dma_wait3A] : memref<128x80xi32, #tpu.memory_space<vmem>> -> memref<1x80xi32, #tpu.memory_space<vmem>>
      %dma_wait3A_49 = tpu.memref_squeeze %dma_wait3A_48 : memref<1x80xi32, #tpu.memory_space<vmem>> -> memref<80xi32, #tpu.memory_space<vmem>>
      %dma_wait3A_50 = arith.constant 0 : i32
      %dma_wait3A_51 = arith.constant 0 : i32
      %dma_wait3A_52 = tpu.memref_slice %arg2[%add3A_1, %dma_wait3A_50, %dma_wait3A_51] : memref<4x10240x128xf32, #tpu.memory_space<hbm>> -> memref<1x10240x128xf32, #tpu.memory_space<hbm>>
      %dma_wait3A_53 = tpu.memref_squeeze %dma_wait3A_52 : memref<1x10240x128xf32, #tpu.memory_space<hbm>> -> memref<10240x128xf32, #tpu.memory_space<hbm>>
      %dma_wait3A_54 = arith.constant 0 : i32
      %dma_wait3A_55 = arith.constant 0 : i32
      %dma_wait3A_56 = tpu.memref_slice %dma_wait3A_53[%dma_wait3A_54, %dma_wait3A_55] : memref<10240x128xf32, #tpu.memory_space<hbm>> -> memref<10240x128xf32, #tpu.memory_space<hbm>>
      tpu.wait_indirect_dma semaphore(%arg10 : memref<!tpu.dma_semaphore, #tpu.memory_space<semaphore_mem>>) src(%dma_wait3A_56 : memref<10240x128xf32, #tpu.memory_space<hbm>>) dst(%arg9 : memref<80x128xf32, #tpu.memory_space<vmem>>)
      "tpu.region"() ({
        %run_scoped3A = tpu.sem_alloc : memref<!tpu.dma_semaphore, #tpu.memory_space<semaphore_mem>>
        %dma_start3A_57 = arith.constant 0 : i32
        %dma_start3A_58 = tpu.memref_slice %arg8[%scan3A_38, %dma_start3A_57] : memref<128x80xi32, #tpu.memory_space<vmem>> -> memref<1x80xi32, #tpu.memory_space<vmem>>
        %dma_start3A_59 = tpu.memref_squeeze %dma_start3A_58 : memref<1x80xi32, #tpu.memory_space<vmem>> -> memref<80xi32, #tpu.memory_space<vmem>>
        %dma_start3A_60 = arith.constant 0 : i32
        %dma_start3A_61 = arith.constant 0 : i32
        %dma_start3A_62 = tpu.memref_slice %arg6[%dma_start3A_60, %dma_start3A_61] : memref<10240x128xf32, #tpu.memory_space<vmem_shared>> -> memref<10240x128xf32, #tpu.memory_space<vmem_shared>>
        tpu.enqueue_indirect_dma source(%arg9 : memref<80x128xf32, #tpu.memory_space<vmem>>) target(%dma_start3A_62 : memref<10240x128xf32, #tpu.memory_space<vmem_shared>>) offsets(%dma_start3A_59 : memref<80xi32, #tpu.memory_space<vmem>>) semaphore(%run_scoped3A : memref<!tpu.dma_semaphore, #tpu.memory_space<semaphore_mem>>) {add = true}
        %dma_wait3A_63 = arith.constant 0 : i32
        %dma_wait3A_64 = tpu.memref_slice %arg8[%scan3A_38, %dma_wait3A_63] : memref<128x80xi32, #tpu.memory_space<vmem>> -> memref<1x80xi32, #tpu.memory_space<vmem>>
        %dma_wait3A_65 = tpu.memref_squeeze %dma_wait3A_64 : memref<1x80xi32, #tpu.memory_space<vmem>> -> memref<80xi32, #tpu.memory_space<vmem>>
        %dma_wait3A_66 = arith.constant 0 : i32
        %dma_wait3A_67 = arith.constant 0 : i32
        %dma_wait3A_68 = tpu.memref_slice %arg6[%dma_wait3A_66, %dma_wait3A_67] : memref<10240x128xf32, #tpu.memory_space<vmem_shared>> -> memref<10240x128xf32, #tpu.memory_space<vmem_shared>>
        tpu.wait_indirect_dma semaphore(%run_scoped3A : memref<!tpu.dma_semaphore, #tpu.memory_space<semaphore_mem>>) src(%arg9 : memref<80x128xf32, #tpu.memory_space<vmem>>) dst(%dma_wait3A_68 : memref<10240x128xf32, #tpu.memory_space<vmem_shared>>)
        tpu.yield
      }) : () -> ()
    }
    %scan3A_10 = arith.constant 128 : i32
    %barrier3A_11 = arith.constant 0 : index
    tpu.barrier barrier_id(%barrier3A_11)
    %mul3A_12 = arith.constant 640 : i32
    %mul3A_13 = arith.muli %arg1, %mul3A_12 : i32
    %mul3A_14 = arith.constant 640 : i32
    %mul3A_15 = arith.muli %arg1, %mul3A_14 : i32
    "tpu.region"() ({
      %run_scoped3A = tpu.sem_alloc : memref<!tpu.dma_semaphore, #tpu.memory_space<semaphore_mem>>
      %dma_start3A = arith.constant 0 : i32
      %dma_start3A_38 = tpu.memref_slice %arg5[%add3A_1, %mul3A_15, %dma_start3A] : memref<4x10240x128xf32, #tpu.memory_space<hbm>> -> memref<1x640x128xf32, #tpu.memory_space<hbm>>
      %dma_start3A_39 = tpu.memref_squeeze %dma_start3A_38 : memref<1x640x128xf32, #tpu.memory_space<hbm>> -> memref<640x128xf32, #tpu.memory_space<hbm>>
      %dma_start3A_40 = arith.constant 0 : i32
      %dma_start3A_41 = tpu.memref_slice %arg6[%mul3A_13, %dma_start3A_40] : memref<10240x128xf32, #tpu.memory_space<vmem_shared>> -> memref<640x128xf32, #tpu.memory_space<vmem_shared>>
      tpu.enqueue_dma source(%dma_start3A_41 : memref<640x128xf32, #tpu.memory_space<vmem_shared>>) target(%dma_start3A_39 : memref<640x128xf32, #tpu.memory_space<hbm>>) target_semaphore(%run_scoped3A : memref<!tpu.dma_semaphore, #tpu.memory_space<semaphore_mem>>)
      %dma_wait3A = arith.constant 0 : i32
      %dma_wait3A_42 = tpu.memref_slice %arg5[%add3A_1, %mul3A_15, %dma_wait3A] : memref<4x10240x128xf32, #tpu.memory_space<hbm>> -> memref<1x640x128xf32, #tpu.memory_space<hbm>>
      %dma_wait3A_43 = tpu.memref_squeeze %dma_wait3A_42 : memref<1x640x128xf32, #tpu.memory_space<hbm>> -> memref<640x128xf32, #tpu.memory_space<hbm>>
      %dma_wait3A_44 = arith.constant 0 : i32
      %dma_wait3A_45 = tpu.memref_slice %arg6[%mul3A_13, %dma_wait3A_44] : memref<10240x128xf32, #tpu.memory_space<vmem_shared>> -> memref<640x128xf32, #tpu.memory_space<vmem_shared>>
      tpu.wait_dma2 semaphore(%run_scoped3A : memref<!tpu.dma_semaphore, #tpu.memory_space<semaphore_mem>>) src(%dma_wait3A_45 : memref<640x128xf32, #tpu.memory_space<vmem_shared>>) dst(%dma_wait3A_43 : memref<640x128xf32, #tpu.memory_space<hbm>>)
      tpu.yield
    }) : () -> ()
    %barrier3A_16 = arith.constant 0 : index
    tpu.barrier barrier_id(%barrier3A_16)
    %mul3A_17 = arith.constant 2 : i32
    %mul3A_18 = arith.muli %arg0, %mul3A_17 : i32
    %add3A_19 = arith.constant 1 : i32
    %add3A_20 = arith.addi %mul3A_18, %add3A_19 : i32
    %mul3A_21 = arith.constant 640 : i32
    %mul3A_22 = arith.muli %arg1, %mul3A_21 : i32
    %mul3A_23 = arith.constant 640 : i32
    %mul3A_24 = arith.muli %arg1, %mul3A_23 : i32
    "tpu.region"() ({
      %run_scoped3A = tpu.sem_alloc : memref<!tpu.dma_semaphore, #tpu.memory_space<semaphore_mem>>
      %dma_start3A = arith.constant 0 : i32
      %dma_start3A_38 = tpu.memref_slice %arg6[%mul3A_24, %dma_start3A] : memref<10240x128xf32, #tpu.memory_space<vmem_shared>> -> memref<640x128xf32, #tpu.memory_space<vmem_shared>>
      %dma_start3A_39 = arith.constant 0 : i32
      %dma_start3A_40 = arith.constant 0 : i32
      %dma_start3A_41 = tpu.memref_slice %arg2[%add3A_20, %dma_start3A_39, %dma_start3A_40] : memref<4x10240x128xf32, #tpu.memory_space<hbm>> -> memref<1x10240x128xf32, #tpu.memory_space<hbm>>
      %dma_start3A_42 = tpu.memref_squeeze %dma_start3A_41 : memref<1x10240x128xf32, #tpu.memory_space<hbm>> -> memref<10240x128xf32, #tpu.memory_space<hbm>>
      %dma_start3A_43 = arith.constant 0 : i32
      %dma_start3A_44 = tpu.memref_slice %dma_start3A_42[%mul3A_22, %dma_start3A_43] : memref<10240x128xf32, #tpu.memory_space<hbm>> -> memref<640x128xf32, #tpu.memory_space<hbm>>
      tpu.enqueue_dma source(%dma_start3A_44 : memref<640x128xf32, #tpu.memory_space<hbm>>) target(%dma_start3A_38 : memref<640x128xf32, #tpu.memory_space<vmem_shared>>) target_semaphore(%run_scoped3A : memref<!tpu.dma_semaphore, #tpu.memory_space<semaphore_mem>>)
      %dma_wait3A = arith.constant 0 : i32
      %dma_wait3A_45 = tpu.memref_slice %arg6[%mul3A_24, %dma_wait3A] : memref<10240x128xf32, #tpu.memory_space<vmem_shared>> -> memref<640x128xf32, #tpu.memory_space<vmem_shared>>
      %dma_wait3A_46 = arith.constant 0 : i32
      %dma_wait3A_47 = arith.constant 0 : i32
      %dma_wait3A_48 = tpu.memref_slice %arg2[%add3A_20, %dma_wait3A_46, %dma_wait3A_47] : memref<4x10240x128xf32, #tpu.memory_space<hbm>> -> memref<1x10240x128xf32, #tpu.memory_space<hbm>>
      %dma_wait3A_49 = tpu.memref_squeeze %dma_wait3A_48 : memref<1x10240x128xf32, #tpu.memory_space<hbm>> -> memref<10240x128xf32, #tpu.memory_space<hbm>>
      %dma_wait3A_50 = arith.constant 0 : i32
      %dma_wait3A_51 = tpu.memref_slice %dma_wait3A_49[%mul3A_22, %dma_wait3A_50] : memref<10240x128xf32, #tpu.memory_space<hbm>> -> memref<640x128xf32, #tpu.memory_space<hbm>>
      tpu.wait_dma2 semaphore(%run_scoped3A : memref<!tpu.dma_semaphore, #tpu.memory_space<semaphore_mem>>) src(%dma_wait3A_51 : memref<640x128xf32, #tpu.memory_space<hbm>>) dst(%dma_wait3A_45 : memref<640x128xf32, #tpu.memory_space<vmem_shared>>)
      tpu.yield
    }) : () -> ()
    %barrier3A_25 = arith.constant 0 : index
    tpu.barrier barrier_id(%barrier3A_25)
    %scan3A_26 = arith.constant 0 : i32
    %scan3A_27 = arith.constant 0 : i32
    %scan3A_28 = arith.constant 128 : i32
    %scan3A_29 = arith.addi %scan3A_27, %scan3A_28 : i32
    %scan3A_30 = arith.constant 1 : i32
    scf.for %scan3A_38 = %scan3A_27 to %scan3A_29 step %scan3A_30  : i32 {
      %dma_start3A = arith.constant 0 : i32
      %dma_start3A_39 = tpu.memref_slice %arg7[%scan3A_38, %dma_start3A] : memref<128x80xi32, #tpu.memory_space<vmem>> -> memref<1x80xi32, #tpu.memory_space<vmem>>
      %dma_start3A_40 = tpu.memref_squeeze %dma_start3A_39 : memref<1x80xi32, #tpu.memory_space<vmem>> -> memref<80xi32, #tpu.memory_space<vmem>>
      %dma_start3A_41 = arith.constant 0 : i32
      %dma_start3A_42 = arith.constant 0 : i32
      %dma_start3A_43 = tpu.memref_slice %arg2[%add3A_20, %dma_start3A_41, %dma_start3A_42] : memref<4x10240x128xf32, #tpu.memory_space<hbm>> -> memref<1x10240x128xf32, #tpu.memory_space<hbm>>
      %dma_start3A_44 = tpu.memref_squeeze %dma_start3A_43 : memref<1x10240x128xf32, #tpu.memory_space<hbm>> -> memref<10240x128xf32, #tpu.memory_space<hbm>>
      %dma_start3A_45 = arith.constant 0 : i32
      %dma_start3A_46 = arith.constant 0 : i32
      %dma_start3A_47 = tpu.memref_slice %dma_start3A_44[%dma_start3A_45, %dma_start3A_46] : memref<10240x128xf32, #tpu.memory_space<hbm>> -> memref<10240x128xf32, #tpu.memory_space<hbm>>
      tpu.enqueue_indirect_dma source(%dma_start3A_47 : memref<10240x128xf32, #tpu.memory_space<hbm>>) target(%arg9 : memref<80x128xf32, #tpu.memory_space<vmem>>) offsets(%dma_start3A_40 : memref<80xi32, #tpu.memory_space<vmem>>) semaphore(%arg10 : memref<!tpu.dma_semaphore, #tpu.memory_space<semaphore_mem>>)
      %dma_wait3A = arith.constant 0 : i32
      %dma_wait3A_48 = tpu.memref_slice %arg7[%scan3A_38, %dma_wait3A] : memref<128x80xi32, #tpu.memory_space<vmem>> -> memref<1x80xi32, #tpu.memory_space<vmem>>
      %dma_wait3A_49 = tpu.memref_squeeze %dma_wait3A_48 : memref<1x80xi32, #tpu.memory_space<vmem>> -> memref<80xi32, #tpu.memory_space<vmem>>
      %dma_wait3A_50 = arith.constant 0 : i32
      %dma_wait3A_51 = arith.constant 0 : i32
      %dma_wait3A_52 = tpu.memref_slice %arg2[%add3A_20, %dma_wait3A_50, %dma_wait3A_51] : memref<4x10240x128xf32, #tpu.memory_space<hbm>> -> memref<1x10240x128xf32, #tpu.memory_space<hbm>>
      %dma_wait3A_53 = tpu.memref_squeeze %dma_wait3A_52 : memref<1x10240x128xf32, #tpu.memory_space<hbm>> -> memref<10240x128xf32, #tpu.memory_space<hbm>>
      %dma_wait3A_54 = arith.constant 0 : i32
      %dma_wait3A_55 = arith.constant 0 : i32
      %dma_wait3A_56 = tpu.memref_slice %dma_wait3A_53[%dma_wait3A_54, %dma_wait3A_55] : memref<10240x128xf32, #tpu.memory_space<hbm>> -> memref<10240x128xf32, #tpu.memory_space<hbm>>
      tpu.wait_indirect_dma semaphore(%arg10 : memref<!tpu.dma_semaphore, #tpu.memory_space<semaphore_mem>>) src(%dma_wait3A_56 : memref<10240x128xf32, #tpu.memory_space<hbm>>) dst(%arg9 : memref<80x128xf32, #tpu.memory_space<vmem>>)
      "tpu.region"() ({
        %run_scoped3A = tpu.sem_alloc : memref<!tpu.dma_semaphore, #tpu.memory_space<semaphore_mem>>
        %dma_start3A_57 = arith.constant 0 : i32
        %dma_start3A_58 = tpu.memref_slice %arg8[%scan3A_38, %dma_start3A_57] : memref<128x80xi32, #tpu.memory_space<vmem>> -> memref<1x80xi32, #tpu.memory_space<vmem>>
        %dma_start3A_59 = tpu.memref_squeeze %dma_start3A_58 : memref<1x80xi32, #tpu.memory_space<vmem>> -> memref<80xi32, #tpu.memory_space<vmem>>
        %dma_start3A_60 = arith.constant 0 : i32
        %dma_start3A_61 = arith.constant 0 : i32
        %dma_start3A_62 = tpu.memref_slice %arg6[%dma_start3A_60, %dma_start3A_61] : memref<10240x128xf32, #tpu.memory_space<vmem_shared>> -> memref<10240x128xf32, #tpu.memory_space<vmem_shared>>
        tpu.enqueue_indirect_dma source(%arg9 : memref<80x128xf32, #tpu.memory_space<vmem>>) target(%dma_start3A_62 : memref<10240x128xf32, #tpu.memory_space<vmem_shared>>) offsets(%dma_start3A_59 : memref<80xi32, #tpu.memory_space<vmem>>) semaphore(%run_scoped3A : memref<!tpu.dma_semaphore, #tpu.memory_space<semaphore_mem>>) {add = true}
        %dma_wait3A_63 = arith.constant 0 : i32
        %dma_wait3A_64 = tpu.memref_slice %arg8[%scan3A_38, %dma_wait3A_63] : memref<128x80xi32, #tpu.memory_space<vmem>> -> memref<1x80xi32, #tpu.memory_space<vmem>>
        %dma_wait3A_65 = tpu.memref_squeeze %dma_wait3A_64 : memref<1x80xi32, #tpu.memory_space<vmem>> -> memref<80xi32, #tpu.memory_space<vmem>>
        %dma_wait3A_66 = arith.constant 0 : i32
        %dma_wait3A_67 = arith.constant 0 : i32
        %dma_wait3A_68 = tpu.memref_slice %arg6[%dma_wait3A_66, %dma_wait3A_67] : memref<10240x128xf32, #tpu.memory_space<vmem_shared>> -> memref<10240x128xf32, #tpu.memory_space<vmem_shared>>
        tpu.wait_indirect_dma semaphore(%run_scoped3A : memref<!tpu.dma_semaphore, #tpu.memory_space<semaphore_mem>>) src(%arg9 : memref<80x128xf32, #tpu.memory_space<vmem>>) dst(%dma_wait3A_68 : memref<10240x128xf32, #tpu.memory_space<vmem_shared>>)
        tpu.yield
      }) : () -> ()
    }
    %scan3A_31 = arith.constant 128 : i32
    %barrier3A_32 = arith.constant 0 : index
    tpu.barrier barrier_id(%barrier3A_32)
    %mul3A_33 = arith.constant 640 : i32
    %mul3A_34 = arith.muli %arg1, %mul3A_33 : i32
    %mul3A_35 = arith.constant 640 : i32
    %mul3A_36 = arith.muli %arg1, %mul3A_35 : i32
    "tpu.region"() ({
      %run_scoped3A = tpu.sem_alloc : memref<!tpu.dma_semaphore, #tpu.memory_space<semaphore_mem>>
      %dma_start3A = arith.constant 0 : i32
      %dma_start3A_38 = tpu.memref_slice %arg5[%add3A_20, %mul3A_36, %dma_start3A] : memref<4x10240x128xf32, #tpu.memory_space<hbm>> -> memref<1x640x128xf32, #tpu.memory_space<hbm>>
      %dma_start3A_39 = tpu.memref_squeeze %dma_start3A_38 : memref<1x640x128xf32, #tpu.memory_space<hbm>> -> memref<640x128xf32, #tpu.memory_space<hbm>>
      %dma_start3A_40 = arith.constant 0 : i32
      %dma_start3A_41 = tpu.memref_slice %arg6[%mul3A_34, %dma_start3A_40] : memref<10240x128xf32, #tpu.memory_space<vmem_shared>> -> memref<640x128xf32, #tpu.memory_space<vmem_shared>>
      tpu.enqueue_dma source(%dma_start3A_41 : memref<640x128xf32, #tpu.memory_space<vmem_shared>>) target(%dma_start3A_39 : memref<640x128xf32, #tpu.memory_space<hbm>>) target_semaphore(%run_scoped3A : memref<!tpu.dma_semaphore, #tpu.memory_space<semaphore_mem>>)
      %dma_wait3A = arith.constant 0 : i32
      %dma_wait3A_42 = tpu.memref_slice %arg5[%add3A_20, %mul3A_36, %dma_wait3A] : memref<4x10240x128xf32, #tpu.memory_space<hbm>> -> memref<1x640x128xf32, #tpu.memory_space<hbm>>
      %dma_wait3A_43 = tpu.memref_squeeze %dma_wait3A_42 : memref<1x640x128xf32, #tpu.memory_space<hbm>> -> memref<640x128xf32, #tpu.memory_space<hbm>>
      %dma_wait3A_44 = arith.constant 0 : i32
      %dma_wait3A_45 = tpu.memref_slice %arg6[%mul3A_34, %dma_wait3A_44] : memref<10240x128xf32, #tpu.memory_space<vmem_shared>> -> memref<640x128xf32, #tpu.memory_space<vmem_shared>>
      tpu.wait_dma2 semaphore(%run_scoped3A : memref<!tpu.dma_semaphore, #tpu.memory_space<semaphore_mem>>) src(%dma_wait3A_45 : memref<640x128xf32, #tpu.memory_space<vmem_shared>>) dst(%dma_wait3A_43 : memref<640x128xf32, #tpu.memory_space<hbm>>)
      tpu.yield
    }) : () -> ()
    %barrier3A_37 = arith.constant 0 : index
    tpu.barrier barrier_id(%barrier3A_37)
    return
  }
}

module attributes {stable_mosaic.version = 14 : i64} {
  func.func @_dinv_body(%arg0: i32, %arg1: memref<1x640x128xf32, #tpu.memory_space<vmem>>, %arg2: memref<640x1xf32, #tpu.memory_space<vmem>>) attributes {dimension_semantics = [#tpu.dimension_semantics<arbitrary>], iteration_bounds = array<i64: 16>, scalar_prefetch = 0 : i64, scratch_operands = 0 : i64, tpu.core_type = #tpu.core_type<tc>, window_params = [{transform_indices = @transform_0, window_bounds = array<i64: 1, 640, 128>}, {transform_indices = @transform_1, window_bounds = array<i64: 640, 1>}]} {
    %get3A = arith.constant 0 : index
    %get3A_0 = arith.constant 0 : index
    %get3A_1 = arith.constant 0 : index
    %get3A_2 = vector.load %arg1[%get3A, %get3A_0, %get3A_1] : memref<1x640x128xf32, #tpu.memory_space<vmem>>, vector<1x640x1xf32>
    %get3A_3 = vector.shape_cast %get3A_2 : vector<1x640x1xf32> to vector<640x1xf32>
    %mul3A = arith.constant 640 : i32
    %mul3A_4 = arith.muli %arg0, %mul3A : i32
    %iota3A = tpu.iota {dimensions = array<i32: 0>} : vector<640x1xi32>
    %add3A = vector.broadcast %mul3A_4 : i32 to vector<640x1xi32>
    %add3A_5 = arith.addi %add3A, %iota3A : vector<640x1xi32>
    %lt3A = arith.constant 10000 : i32
    %lt3A_6 = vector.broadcast %lt3A : i32 to vector<640x1xi32>
    %lt3A_7 = arith.cmpi slt, %add3A_5, %lt3A_6 : vector<640x1xi32>
    %max3A = arith.constant 1.000000e+00 : f32
    %max3A_8 = vector.broadcast %max3A : f32 to vector<640x1xf32>
    %max3A_9 = arith.maximumf %get3A_3, %max3A_8 : vector<640x1xf32>
    %rsqrt3A = math.rsqrt %max3A_9 : vector<640x1xf32>
    %jit3A = arith.constant 0.000000e+00 : f32
    %broadcast_in_dim3A = vector.broadcast %jit3A : f32 to vector<640x1xf32>
    %select_n3A = arith.select %lt3A_7, %rsqrt3A, %broadcast_in_dim3A : vector<640x1xi1>, vector<640x1xf32>
    %swap3A = arith.constant 0 : index
    %swap3A_10 = arith.constant 0 : index
    %swap3A_11 = vector.load %arg2[%swap3A, %swap3A_10] : memref<640x1xf32, #tpu.memory_space<vmem>>, vector<640x1xf32>
    tpu.vector_store %arg2[%swap3A, %swap3A_10], %select_n3A {strides = array<i32>} : memref<640x1xf32, #tpu.memory_space<vmem>>, vector<640x1xf32>,
    return
  }
  func.func @transform_0(%arg0: i32) -> (i32, i32, i32) {
    %c0_i32 = arith.constant 0 : i32
    %c0_i32_0 = arith.constant 0 : i32
    %c0_i32_1 = arith.constant 0 : i32
    return %c0_i32, %arg0, %c0_i32_0 : i32, i32, i32
  }
  func.func @transform_1(%arg0: i32) -> (i32, i32) {
    %c0_i32 = arith.constant 0 : i32
    %c0_i32_0 = arith.constant 0 : i32
    return %arg0, %c0_i32 : i32, i32
  }
}

module attributes {stable_mosaic.version = 14 : i64} {
  func.func @_hp_body(%arg0: i32, %arg1: i32, %arg2: memref<640x256xf32, #tpu.memory_space<vmem>>, %arg3: memref<256x128xf32, #tpu.memory_space<vmem>>, %arg4: memref<640x1xf32, #tpu.memory_space<vmem>>, %arg5: memref<1x640x128xf32, #tpu.memory_space<vmem>>) attributes {dimension_semantics = [#tpu.dimension_semantics<arbitrary>, #tpu.dimension_semantics<arbitrary>], iteration_bounds = array<i64: 16, 4>, scalar_prefetch = 0 : i64, scratch_operands = 0 : i64, tpu.core_type = #tpu.core_type<tc>, window_params = [{transform_indices = @transform_0, window_bounds = array<i64: 640, 256>}, {transform_indices = @transform_1, window_bounds = array<i64: 256, 128>}, {transform_indices = @transform_2, window_bounds = array<i64: 640, 1>}, {transform_indices = @transform_3, window_bounds = array<i64: 1, 640, 128>}]} {
    %get3A = arith.constant 0 : index
    %get3A_0 = arith.constant 0 : index
    %get3A_1 = vector.load %arg2[%get3A, %get3A_0] : memref<640x256xf32, #tpu.memory_space<vmem>>, vector<640x256xf32>
    %get3A_2 = arith.constant 0 : index
    %get3A_3 = arith.constant 0 : index
    %get3A_4 = vector.load %arg3[%get3A_2, %get3A_3] : memref<256x128xf32, #tpu.memory_space<vmem>>, vector<256x128xf32>
    %dot_general3A = arith.constant dense<0.000000e+00> : vector<640x128xf32>
    %dot_general3A_5 = tpu.matmul %get3A_1, %get3A_4, %dot_general3A {dimension_numbers = #tpu.dot_dimension_numbers<[1], [0], [0], [1], [0, 0, 1, 1], [], []>, transpose_lhs_hint = false} : vector<640x256xf32>, vector<256x128xf32>, vector<640x128xf32> -> vector<640x128xf32>
    %get3A_6 = arith.constant 0 : index
    %get3A_7 = arith.constant 0 : index
    %get3A_8 = vector.load %arg4[%get3A_6, %get3A_7] : memref<640x1xf32, #tpu.memory_space<vmem>>, vector<640x1xf32>
    %mul3A = vector.broadcast %get3A_8 : vector<640x1xf32> to vector<640x128xf32>
    %mul3A_9 = arith.mulf %dot_general3A_5, %mul3A : vector<640x128xf32>
    %swap3A = arith.constant 0 : index
    %swap3A_10 = arith.constant 0 : index
    %swap3A_11 = arith.constant 0 : index
    %swap3A_12 = vector.load %arg5[%swap3A, %swap3A_10, %swap3A_11] : memref<1x640x128xf32, #tpu.memory_space<vmem>>, vector<1x640x128xf32>
    %swap3A_13 = vector.shape_cast %swap3A_12 : vector<1x640x128xf32> to vector<640x128xf32>
    %swap3A_14 = vector.shape_cast %mul3A_9 : vector<640x128xf32> to vector<1x640x128xf32>
    tpu.vector_store %arg5[%swap3A, %swap3A_10, %swap3A_11], %swap3A_14 {strides = array<i32>} : memref<1x640x128xf32, #tpu.memory_space<vmem>>, vector<1x640x128xf32>,
    return
  }
  func.func @transform_0(%arg0: i32, %arg1: i32) -> (i32, i32) {
    %c0_i32 = arith.constant 0 : i32
    %c0_i32_0 = arith.constant 0 : i32
    return %arg0, %c0_i32 : i32, i32
  }
  func.func @transform_1(%arg0: i32, %arg1: i32) -> (i32, i32) {
    %c0_i32 = arith.constant 0 : i32
    %c0_i32_0 = arith.constant 0 : i32
    return %c0_i32, %arg1 : i32, i32
  }
  func.func @transform_2(%arg0: i32, %arg1: i32) -> (i32, i32) {
    %c0_i32 = arith.constant 0 : i32
    %c0_i32_0 = arith.constant 0 : i32
    return %arg0, %c0_i32 : i32, i32
  }
  func.func @transform_3(%arg0: i32, %arg1: i32) -> (i32, i32, i32) {
    %c0_i32 = arith.constant 0 : i32
    %c0_i32_0 = arith.constant 0 : i32
    return %arg1, %arg0, %c0_i32 : i32, i32, i32
  }
}

module attributes {stable_mosaic.version = 14 : i64} {
  func.func @_stats_body(%arg0: i32, %arg1: i32, %arg2: memref<1x640x128xf32, #tpu.memory_space<vmem>>, %arg3: memref<640x1xf32, #tpu.memory_space<vmem>>, %arg4: memref<1x1x128xf32, #tpu.memory_space<vmem>>, %arg5: memref<1x1x128xf32, #tpu.memory_space<vmem>>) attributes {dimension_semantics = [#tpu.dimension_semantics<arbitrary>, #tpu.dimension_semantics<arbitrary>], iteration_bounds = array<i64: 4, 16>, scalar_prefetch = 0 : i64, scratch_operands = 0 : i64, tpu.core_type = #tpu.core_type<tc>, window_params = [{transform_indices = @transform_0, window_bounds = array<i64: 1, 640, 128>}, {transform_indices = @transform_1, window_bounds = array<i64: 640, 1>}, {transform_indices = @transform_2, window_bounds = array<i64: 1, 1, 128>}, {transform_indices = @transform_3, window_bounds = array<i64: 1, 1, 128>}]} {
    %get3A = arith.constant 0 : index
    %get3A_0 = arith.constant 0 : index
    %get3A_1 = arith.constant 0 : index
    %get3A_2 = vector.load %arg2[%get3A, %get3A_0, %get3A_1] : memref<1x640x128xf32, #tpu.memory_space<vmem>>, vector<1x640x128xf32>
    %get3A_3 = vector.shape_cast %get3A_2 : vector<1x640x128xf32> to vector<640x128xf32>
    %get3A_4 = arith.constant 0 : index
    %get3A_5 = arith.constant 0 : index
    %get3A_6 = vector.load %arg3[%get3A_4, %get3A_5] : memref<640x1xf32, #tpu.memory_space<vmem>>, vector<640x1xf32>
    %mul3A = vector.broadcast %get3A_6 : vector<640x1xf32> to vector<640x128xf32>
    %mul3A_7 = arith.mulf %get3A_3, %mul3A : vector<640x128xf32>
    %reduce_sum3A = arith.constant dense<0.000000e+00> : vector<128xf32>
    %reduce_sum3A_8 = vector.multi_reduction <add>, %mul3A_7, %reduce_sum3A [0] : vector<640x128xf32> to vector<128xf32>
    %broadcast_in_dim3A = vector.shape_cast %reduce_sum3A_8 : vector<128xf32> to vector<1x128xf32>
    %mul3A_9 = arith.mulf %mul3A_7, %mul3A_7 : vector<640x128xf32>
    %reduce_sum3A_10 = arith.constant dense<0.000000e+00> : vector<128xf32>
    %reduce_sum3A_11 = vector.multi_reduction <add>, %mul3A_9, %reduce_sum3A_10 [0] : vector<640x128xf32> to vector<128xf32>
    %broadcast_in_dim3A_12 = vector.shape_cast %reduce_sum3A_11 : vector<128xf32> to vector<1x128xf32>
    %eq3A = arith.constant 0 : i32
    %eq3A_13 = arith.cmpi eq, %arg1, %eq3A : i32
    %convert_element_type3A = arith.extui %eq3A_13 : i1 to i32
    %cond3A = arith.constant 0 : i32
    %cond3A_14 = arith.cmpi ne, %convert_element_type3A, %cond3A : i32
    scf.if %cond3A_14 {
      %swap3A = arith.constant 0 : index
      %swap3A_19 = arith.constant 0 : index
      %swap3A_20 = arith.constant 0 : index
      %swap3A_21 = vector.load %arg4[%swap3A, %swap3A_19, %swap3A_20] : memref<1x1x128xf32, #tpu.memory_space<vmem>>, vector<1x1x128xf32>
      %swap3A_22 = vector.shape_cast %swap3A_21 : vector<1x1x128xf32> to vector<1x128xf32>
      %swap3A_23 = vector.shape_cast %broadcast_in_dim3A : vector<1x128xf32> to vector<1x1x128xf32>
      tpu.vector_store %arg4[%swap3A, %swap3A_19, %swap3A_20], %swap3A_23 {strides = array<i32>} : memref<1x1x128xf32, #tpu.memory_space<vmem>>, vector<1x1x128xf32>,
      %swap3A_24 = arith.constant 0 : index
      %swap3A_25 = arith.constant 0 : index
      %swap3A_26 = arith.constant 0 : index
      %swap3A_27 = vector.load %arg5[%swap3A_24, %swap3A_25, %swap3A_26] : memref<1x1x128xf32, #tpu.memory_space<vmem>>, vector<1x1x128xf32>
      %swap3A_28 = vector.shape_cast %swap3A_27 : vector<1x1x128xf32> to vector<1x128xf32>
      %swap3A_29 = vector.shape_cast %broadcast_in_dim3A_12 : vector<1x128xf32> to vector<1x1x128xf32>
      tpu.vector_store %arg5[%swap3A_24, %swap3A_25, %swap3A_26], %swap3A_29 {strides = array<i32>} : memref<1x1x128xf32, #tpu.memory_space<vmem>>, vector<1x1x128xf32>,
    } else {
    }
    %ne3A = arith.constant 0 : i32
    %ne3A_15 = arith.cmpi ne, %arg1, %ne3A : i32
    %convert_element_type3A_16 = arith.extui %ne3A_15 : i1 to i32
    %cond3A_17 = arith.constant 0 : i32
    %cond3A_18 = arith.cmpi ne, %convert_element_type3A_16, %cond3A_17 : i32
    scf.if %cond3A_18 {
      %get3A_19 = arith.constant 0 : index
      %get3A_20 = arith.constant 0 : index
      %get3A_21 = arith.constant 0 : index
      %get3A_22 = vector.load %arg4[%get3A_19, %get3A_20, %get3A_21] : memref<1x1x128xf32, #tpu.memory_space<vmem>>, vector<1x1x128xf32>
      %get3A_23 = vector.shape_cast %get3A_22 : vector<1x1x128xf32> to vector<1x128xf32>
      %add3A = arith.addf %get3A_23, %broadcast_in_dim3A : vector<1x128xf32>
      %swap3A = arith.constant 0 : index
      %swap3A_24 = arith.constant 0 : index
      %swap3A_25 = arith.constant 0 : index
      %swap3A_26 = vector.load %arg4[%swap3A, %swap3A_24, %swap3A_25] : memref<1x1x128xf32, #tpu.memory_space<vmem>>, vector<1x1x128xf32>
      %swap3A_27 = vector.shape_cast %swap3A_26 : vector<1x1x128xf32> to vector<1x128xf32>
      %swap3A_28 = vector.shape_cast %add3A : vector<1x128xf32> to vector<1x1x128xf32>
      tpu.vector_store %arg4[%swap3A, %swap3A_24, %swap3A_25], %swap3A_28 {strides = array<i32>} : memref<1x1x128xf32, #tpu.memory_space<vmem>>, vector<1x1x128xf32>,
      %get3A_29 = arith.constant 0 : index
      %get3A_30 = arith.constant 0 : index
      %get3A_31 = arith.constant 0 : index
      %get3A_32 = vector.load %arg5[%get3A_29, %get3A_30, %get3A_31] : memref<1x1x128xf32, #tpu.memory_space<vmem>>, vector<1x1x128xf32>
      %get3A_33 = vector.shape_cast %get3A_32 : vector<1x1x128xf32> to vector<1x128xf32>
      %add3A_34 = arith.addf %get3A_33, %broadcast_in_dim3A_12 : vector<1x128xf32>
      %swap3A_35 = arith.constant 0 : index
      %swap3A_36 = arith.constant 0 : index
      %swap3A_37 = arith.constant 0 : index
      %swap3A_38 = vector.load %arg5[%swap3A_35, %swap3A_36, %swap3A_37] : memref<1x1x128xf32, #tpu.memory_space<vmem>>, vector<1x1x128xf32>
      %swap3A_39 = vector.shape_cast %swap3A_38 : vector<1x1x128xf32> to vector<1x128xf32>
      %swap3A_40 = vector.shape_cast %add3A_34 : vector<1x128xf32> to vector<1x1x128xf32>
      tpu.vector_store %arg5[%swap3A_35, %swap3A_36, %swap3A_37], %swap3A_40 {strides = array<i32>} : memref<1x1x128xf32, #tpu.memory_space<vmem>>, vector<1x1x128xf32>,
    } else {
    }
    return
  }
  func.func @transform_0(%arg0: i32, %arg1: i32) -> (i32, i32, i32) {
    %c0_i32 = arith.constant 0 : i32
    %c0_i32_0 = arith.constant 0 : i32
    return %arg0, %arg1, %c0_i32 : i32, i32, i32
  }
  func.func @transform_1(%arg0: i32, %arg1: i32) -> (i32, i32) {
    %c0_i32 = arith.constant 0 : i32
    %c0_i32_0 = arith.constant 0 : i32
    return %arg1, %c0_i32 : i32, i32
  }
  func.func @transform_2(%arg0: i32, %arg1: i32) -> (i32, i32, i32) {
    %c0_i32 = arith.constant 0 : i32
    %c0_i32_0 = arith.constant 0 : i32
    %c0_i32_1 = arith.constant 0 : i32
    return %arg0, %c0_i32, %c0_i32_0 : i32, i32, i32
  }
  func.func @transform_3(%arg0: i32, %arg1: i32) -> (i32, i32, i32) {
    %c0_i32 = arith.constant 0 : i32
    %c0_i32_0 = arith.constant 0 : i32
    %c0_i32_1 = arith.constant 0 : i32
    return %arg0, %c0_i32, %c0_i32_0 : i32, i32, i32
  }
}

module attributes {stable_mosaic.version = 14 : i64} {
  func.func @_mid_body(%arg0: i32, %arg1: i32, %arg2: memref<4x640x128xf32, #tpu.memory_space<vmem>>, %arg3: memref<4x1x128xf32, #tpu.memory_space<vmem>>, %arg4: memref<4x1x128xf32, #tpu.memory_space<vmem>>, %arg5: memref<4x128xf32, #tpu.memory_space<vmem>>, %arg6: memref<4x128xf32, #tpu.memory_space<vmem>>, %arg7: memref<512x128xf32, #tpu.memory_space<vmem>>, %arg8: memref<640x1xf32, #tpu.memory_space<vmem>>, %arg9: memref<1x640x128xf32, #tpu.memory_space<vmem>>) attributes {dimension_semantics = [#tpu.dimension_semantics<arbitrary>, #tpu.dimension_semantics<arbitrary>], iteration_bounds = array<i64: 16, 4>, scalar_prefetch = 0 : i64, scratch_operands = 0 : i64, tpu.core_type = #tpu.core_type<tc>, window_params = [{transform_indices = @transform_0, window_bounds = array<i64: 4, 640, 128>}, {pipeline_mode = #tpu.pipeline_mode<synchronous>, transform_indices = @transform_1, window_bounds = array<i64: 4, 1, 128>}, {pipeline_mode = #tpu.pipeline_mode<synchronous>, transform_indices = @transform_2, window_bounds = array<i64: 4, 1, 128>}, {pipeline_mode = #tpu.pipeline_mode<synchronous>, transform_indices = @transform_3, window_bounds = array<i64: 4, 128>}, {pipeline_mode = #tpu.pipeline_mode<synchronous>, transform_indices = @transform_4, window_bounds = array<i64: 4, 128>}, {transform_indices = @transform_5, window_bounds = array<i64: 512, 128>}, {transform_indices = @transform_6, window_bounds = array<i64: 640, 1>}, {transform_indices = @transform_7, window_bounds = array<i64: 1, 640, 128>}]} {
    %broadcast_in_dim3A = arith.constant 0.000000e+00 : f32
    %broadcast_in_dim3A_0 = vector.broadcast %broadcast_in_dim3A : f32 to vector<640x128xf32>
    %get3A = arith.constant 0 : index
    %get3A_1 = arith.constant 0 : index
    %get3A_2 = arith.constant 0 : index
    %get3A_3 = vector.load %arg2[%get3A, %get3A_1, %get3A_2] : memref<4x640x128xf32, #tpu.memory_space<vmem>>, vector<1x640x128xf32>
    %get3A_4 = vector.shape_cast %get3A_3 : vector<1x640x128xf32> to vector<640x128xf32>
    %get3A_5 = arith.constant 0 : index
    %get3A_6 = arith.constant 0 : index
    %get3A_7 = vector.load %arg8[%get3A_5, %get3A_6] : memref<640x1xf32, #tpu.memory_space<vmem>>, vector<640x1xf32>
    %mul3A = vector.broadcast %get3A_7 : vector<640x1xf32> to vector<640x128xf32>
    %mul3A_8 = arith.mulf %get3A_4, %mul3A : vector<640x128xf32>
    %get3A_9 = arith.constant 0 : index
    %get3A_10 = arith.constant 0 : index
    %get3A_11 = arith.constant 0 : index
    %get3A_12 = vector.load %arg3[%get3A_9, %get3A_10, %get3A_11] : memref<4x1x128xf32, #tpu.memory_space<vmem>>, vector<1x1x128xf32>
    %get3A_13 = vector.shape_cast %get3A_12 : vector<1x1x128xf32> to vector<1x128xf32>
    %get3A_14 = arith.constant 0 : index
    %get3A_15 = arith.constant 0 : index
    %get3A_16 = arith.constant 0 : index
    %get3A_17 = vector.load %arg4[%get3A_14, %get3A_15, %get3A_16] : memref<4x1x128xf32, #tpu.memory_space<vmem>>, vector<1x1x128xf32>
    %get3A_18 = vector.shape_cast %get3A_17 : vector<1x1x128xf32> to vector<1x128xf32>
    %get3A_19 = arith.constant 0 : index
    %get3A_20 = arith.constant 0 : index
    %get3A_21 = vector.load %arg5[%get3A_19, %get3A_20] : memref<4x128xf32, #tpu.memory_space<vmem>>, vector<1x128xf32>
    %get3A_22 = vector.shape_cast %get3A_21 : vector<1x128xf32> to vector<128xf32>
    %get3A_23 = arith.constant 0 : index
    %get3A_24 = arith.constant 0 : index
    %get3A_25 = vector.load %arg6[%get3A_23, %get3A_24] : memref<4x128xf32, #tpu.memory_space<vmem>>, vector<1x128xf32>
    %get3A_26 = vector.shape_cast %get3A_25 : vector<1x128xf32> to vector<128xf32>
    %div3A = arith.constant 1.000000e+04 : f32
    %div3A_27 = vector.broadcast %div3A : f32 to vector<1x128xf32>
    %div3A_28 = arith.divf %get3A_13, %div3A_27 : vector<1x128xf32>
    %div3A_29 = arith.constant 1.000000e+04 : f32
    %div3A_30 = vector.broadcast %div3A_29 : f32 to vector<1x128xf32>
    %div3A_31 = arith.divf %get3A_18, %div3A_30 : vector<1x128xf32>
    %mul3A_32 = arith.mulf %div3A_28, %div3A_28 : vector<1x128xf32>
    %sub3A = arith.subf %div3A_31, %mul3A_32 : vector<1x128xf32>
    %sub3A_33 = vector.broadcast %div3A_28 : vector<1x128xf32> to vector<640x128xf32>
    %sub3A_34 = arith.subf %mul3A_8, %sub3A_33 : vector<640x128xf32>
    %add3A = arith.constant 9.99999974E-6 : f32
    %add3A_35 = vector.broadcast %add3A : f32 to vector<1x128xf32>
    %add3A_36 = arith.addf %sub3A, %add3A_35 : vector<1x128xf32>
    %rsqrt3A = math.rsqrt %add3A_36 : vector<1x128xf32>
    %mul3A_37 = vector.broadcast %rsqrt3A : vector<1x128xf32> to vector<640x128xf32>
    %mul3A_38 = arith.mulf %sub3A_34, %mul3A_37 : vector<640x128xf32>
    %broadcast_in_dim3A_39 = vector.shape_cast %get3A_22 : vector<128xf32> to vector<1x128xf32>
    %mul3A_40 = vector.broadcast %broadcast_in_dim3A_39 : vector<1x128xf32> to vector<640x128xf32>
    %mul3A_41 = arith.mulf %mul3A_38, %mul3A_40 : vector<640x128xf32>
    %broadcast_in_dim3A_42 = vector.shape_cast %get3A_26 : vector<128xf32> to vector<1x128xf32>
    %add3A_43 = vector.broadcast %broadcast_in_dim3A_42 : vector<1x128xf32> to vector<640x128xf32>
    %add3A_44 = arith.addf %mul3A_41, %add3A_43 : vector<640x128xf32>
    %max3A = arith.constant 0.000000e+00 : f32
    %max3A_45 = vector.broadcast %max3A : f32 to vector<640x128xf32>
    %max3A_46 = arith.maximumf %add3A_44, %max3A_45 : vector<640x128xf32>
    %get3A_47 = arith.constant 0 : index
    %get3A_48 = arith.constant 0 : index
    %get3A_49 = vector.load %arg7[%get3A_47, %get3A_48] : memref<512x128xf32, #tpu.memory_space<vmem>>, vector<128x128xf32>
    %dot_general3A = arith.constant dense<0.000000e+00> : vector<640x128xf32>
    %dot_general3A_50 = tpu.matmul %max3A_46, %get3A_49, %dot_general3A {dimension_numbers = #tpu.dot_dimension_numbers<[1], [0], [0], [1], [0, 0, 1, 1], [], []>, transpose_lhs_hint = false} : vector<640x128xf32>, vector<128x128xf32>, vector<640x128xf32> -> vector<640x128xf32>
    %add3A_51 = arith.addf %broadcast_in_dim3A_0, %dot_general3A_50 : vector<640x128xf32>
    %get3A_52 = arith.constant 1 : index
    %get3A_53 = arith.constant 0 : index
    %get3A_54 = arith.constant 0 : index
    %get3A_55 = vector.load %arg2[%get3A_52, %get3A_53, %get3A_54] : memref<4x640x128xf32, #tpu.memory_space<vmem>>, vector<1x640x128xf32>
    %get3A_56 = vector.shape_cast %get3A_55 : vector<1x640x128xf32> to vector<640x128xf32>
    %get3A_57 = arith.constant 0 : index
    %get3A_58 = arith.constant 0 : index
    %get3A_59 = vector.load %arg8[%get3A_57, %get3A_58] : memref<640x1xf32, #tpu.memory_space<vmem>>, vector<640x1xf32>
    %mul3A_60 = vector.broadcast %get3A_59 : vector<640x1xf32> to vector<640x128xf32>
    %mul3A_61 = arith.mulf %get3A_56, %mul3A_60 : vector<640x128xf32>
    %get3A_62 = arith.constant 1 : index
    %get3A_63 = arith.constant 0 : index
    %get3A_64 = arith.constant 0 : index
    %get3A_65 = vector.load %arg3[%get3A_62, %get3A_63, %get3A_64] : memref<4x1x128xf32, #tpu.memory_space<vmem>>, vector<1x1x128xf32>
    %get3A_66 = vector.shape_cast %get3A_65 : vector<1x1x128xf32> to vector<1x128xf32>
    %get3A_67 = arith.constant 1 : index
    %get3A_68 = arith.constant 0 : index
    %get3A_69 = arith.constant 0 : index
    %get3A_70 = vector.load %arg4[%get3A_67, %get3A_68, %get3A_69] : memref<4x1x128xf32, #tpu.memory_space<vmem>>, vector<1x1x128xf32>
    %get3A_71 = vector.shape_cast %get3A_70 : vector<1x1x128xf32> to vector<1x128xf32>
    %get3A_72 = arith.constant 1 : index
    %get3A_73 = arith.constant 0 : index
    %get3A_74 = vector.load %arg5[%get3A_72, %get3A_73] : memref<4x128xf32, #tpu.memory_space<vmem>>, vector<1x128xf32>
    %get3A_75 = vector.shape_cast %get3A_74 : vector<1x128xf32> to vector<128xf32>
    %get3A_76 = arith.constant 1 : index
    %get3A_77 = arith.constant 0 : index
    %get3A_78 = vector.load %arg6[%get3A_76, %get3A_77] : memref<4x128xf32, #tpu.memory_space<vmem>>, vector<1x128xf32>
    %get3A_79 = vector.shape_cast %get3A_78 : vector<1x128xf32> to vector<128xf32>
    %div3A_80 = arith.constant 1.000000e+04 : f32
    %div3A_81 = vector.broadcast %div3A_80 : f32 to vector<1x128xf32>
    %div3A_82 = arith.divf %get3A_66, %div3A_81 : vector<1x128xf32>
    %div3A_83 = arith.constant 1.000000e+04 : f32
    %div3A_84 = vector.broadcast %div3A_83 : f32 to vector<1x128xf32>
    %div3A_85 = arith.divf %get3A_71, %div3A_84 : vector<1x128xf32>
    %mul3A_86 = arith.mulf %div3A_82, %div3A_82 : vector<1x128xf32>
    %sub3A_87 = arith.subf %div3A_85, %mul3A_86 : vector<1x128xf32>
    %sub3A_88 = vector.broadcast %div3A_82 : vector<1x128xf32> to vector<640x128xf32>
    %sub3A_89 = arith.subf %mul3A_61, %sub3A_88 : vector<640x128xf32>
    %add3A_90 = arith.constant 9.99999974E-6 : f32
    %add3A_91 = vector.broadcast %add3A_90 : f32 to vector<1x128xf32>
    %add3A_92 = arith.addf %sub3A_87, %add3A_91 : vector<1x128xf32>
    %rsqrt3A_93 = math.rsqrt %add3A_92 : vector<1x128xf32>
    %mul3A_94 = vector.broadcast %rsqrt3A_93 : vector<1x128xf32> to vector<640x128xf32>
    %mul3A_95 = arith.mulf %sub3A_89, %mul3A_94 : vector<640x128xf32>
    %broadcast_in_dim3A_96 = vector.shape_cast %get3A_75 : vector<128xf32> to vector<1x128xf32>
    %mul3A_97 = vector.broadcast %broadcast_in_dim3A_96 : vector<1x128xf32> to vector<640x128xf32>
    %mul3A_98 = arith.mulf %mul3A_95, %mul3A_97 : vector<640x128xf32>
    %broadcast_in_dim3A_99 = vector.shape_cast %get3A_79 : vector<128xf32> to vector<1x128xf32>
    %add3A_100 = vector.broadcast %broadcast_in_dim3A_99 : vector<1x128xf32> to vector<640x128xf32>
    %add3A_101 = arith.addf %mul3A_98, %add3A_100 : vector<640x128xf32>
    %max3A_102 = arith.constant 0.000000e+00 : f32
    %max3A_103 = vector.broadcast %max3A_102 : f32 to vector<640x128xf32>
    %max3A_104 = arith.maximumf %add3A_101, %max3A_103 : vector<640x128xf32>
    %get3A_105 = arith.constant 128 : index
    %get3A_106 = arith.constant 0 : index
    %get3A_107 = vector.load %arg7[%get3A_105, %get3A_106] : memref<512x128xf32, #tpu.memory_space<vmem>>, vector<128x128xf32>
    %dot_general3A_108 = arith.constant dense<0.000000e+00> : vector<640x128xf32>
    %dot_general3A_109 = tpu.matmul %max3A_104, %get3A_107, %dot_general3A_108 {dimension_numbers = #tpu.dot_dimension_numbers<[1], [0], [0], [1], [0, 0, 1, 1], [], []>, transpose_lhs_hint = false} : vector<640x128xf32>, vector<128x128xf32>, vector<640x128xf32> -> vector<640x128xf32>
    %add3A_110 = arith.addf %add3A_51, %dot_general3A_109 : vector<640x128xf32>
    %get3A_111 = arith.constant 2 : index
    %get3A_112 = arith.constant 0 : index
    %get3A_113 = arith.constant 0 : index
    %get3A_114 = vector.load %arg2[%get3A_111, %get3A_112, %get3A_113] : memref<4x640x128xf32, #tpu.memory_space<vmem>>, vector<1x640x128xf32>
    %get3A_115 = vector.shape_cast %get3A_114 : vector<1x640x128xf32> to vector<640x128xf32>
    %get3A_116 = arith.constant 0 : index
    %get3A_117 = arith.constant 0 : index
    %get3A_118 = vector.load %arg8[%get3A_116, %get3A_117] : memref<640x1xf32, #tpu.memory_space<vmem>>, vector<640x1xf32>
    %mul3A_119 = vector.broadcast %get3A_118 : vector<640x1xf32> to vector<640x128xf32>
    %mul3A_120 = arith.mulf %get3A_115, %mul3A_119 : vector<640x128xf32>
    %get3A_121 = arith.constant 2 : index
    %get3A_122 = arith.constant 0 : index
    %get3A_123 = arith.constant 0 : index
    %get3A_124 = vector.load %arg3[%get3A_121, %get3A_122, %get3A_123] : memref<4x1x128xf32, #tpu.memory_space<vmem>>, vector<1x1x128xf32>
    %get3A_125 = vector.shape_cast %get3A_124 : vector<1x1x128xf32> to vector<1x128xf32>
    %get3A_126 = arith.constant 2 : index
    %get3A_127 = arith.constant 0 : index
    %get3A_128 = arith.constant 0 : index
    %get3A_129 = vector.load %arg4[%get3A_126, %get3A_127, %get3A_128] : memref<4x1x128xf32, #tpu.memory_space<vmem>>, vector<1x1x128xf32>
    %get3A_130 = vector.shape_cast %get3A_129 : vector<1x1x128xf32> to vector<1x128xf32>
    %get3A_131 = arith.constant 2 : index
    %get3A_132 = arith.constant 0 : index
    %get3A_133 = vector.load %arg5[%get3A_131, %get3A_132] : memref<4x128xf32, #tpu.memory_space<vmem>>, vector<1x128xf32>
    %get3A_134 = vector.shape_cast %get3A_133 : vector<1x128xf32> to vector<128xf32>
    %get3A_135 = arith.constant 2 : index
    %get3A_136 = arith.constant 0 : index
    %get3A_137 = vector.load %arg6[%get3A_135, %get3A_136] : memref<4x128xf32, #tpu.memory_space<vmem>>, vector<1x128xf32>
    %get3A_138 = vector.shape_cast %get3A_137 : vector<1x128xf32> to vector<128xf32>
    %div3A_139 = arith.constant 1.000000e+04 : f32
    %div3A_140 = vector.broadcast %div3A_139 : f32 to vector<1x128xf32>
    %div3A_141 = arith.divf %get3A_125, %div3A_140 : vector<1x128xf32>
    %div3A_142 = arith.constant 1.000000e+04 : f32
    %div3A_143 = vector.broadcast %div3A_142 : f32 to vector<1x128xf32>
    %div3A_144 = arith.divf %get3A_130, %div3A_143 : vector<1x128xf32>
    %mul3A_145 = arith.mulf %div3A_141, %div3A_141 : vector<1x128xf32>
    %sub3A_146 = arith.subf %div3A_144, %mul3A_145 : vector<1x128xf32>
    %sub3A_147 = vector.broadcast %div3A_141 : vector<1x128xf32> to vector<640x128xf32>
    %sub3A_148 = arith.subf %mul3A_120, %sub3A_147 : vector<640x128xf32>
    %add3A_149 = arith.constant 9.99999974E-6 : f32
    %add3A_150 = vector.broadcast %add3A_149 : f32 to vector<1x128xf32>
    %add3A_151 = arith.addf %sub3A_146, %add3A_150 : vector<1x128xf32>
    %rsqrt3A_152 = math.rsqrt %add3A_151 : vector<1x128xf32>
    %mul3A_153 = vector.broadcast %rsqrt3A_152 : vector<1x128xf32> to vector<640x128xf32>
    %mul3A_154 = arith.mulf %sub3A_148, %mul3A_153 : vector<640x128xf32>
    %broadcast_in_dim3A_155 = vector.shape_cast %get3A_134 : vector<128xf32> to vector<1x128xf32>
    %mul3A_156 = vector.broadcast %broadcast_in_dim3A_155 : vector<1x128xf32> to vector<640x128xf32>
    %mul3A_157 = arith.mulf %mul3A_154, %mul3A_156 : vector<640x128xf32>
    %broadcast_in_dim3A_158 = vector.shape_cast %get3A_138 : vector<128xf32> to vector<1x128xf32>
    %add3A_159 = vector.broadcast %broadcast_in_dim3A_158 : vector<1x128xf32> to vector<640x128xf32>
    %add3A_160 = arith.addf %mul3A_157, %add3A_159 : vector<640x128xf32>
    %max3A_161 = arith.constant 0.000000e+00 : f32
    %max3A_162 = vector.broadcast %max3A_161 : f32 to vector<640x128xf32>
    %max3A_163 = arith.maximumf %add3A_160, %max3A_162 : vector<640x128xf32>
    %get3A_164 = arith.constant 256 : index
    %get3A_165 = arith.constant 0 : index
    %get3A_166 = vector.load %arg7[%get3A_164, %get3A_165] : memref<512x128xf32, #tpu.memory_space<vmem>>, vector<128x128xf32>
    %dot_general3A_167 = arith.constant dense<0.000000e+00> : vector<640x128xf32>
    %dot_general3A_168 = tpu.matmul %max3A_163, %get3A_166, %dot_general3A_167 {dimension_numbers = #tpu.dot_dimension_numbers<[1], [0], [0], [1], [0, 0, 1, 1], [], []>, transpose_lhs_hint = false} : vector<640x128xf32>, vector<128x128xf32>, vector<640x128xf32> -> vector<640x128xf32>
    %add3A_169 = arith.addf %add3A_110, %dot_general3A_168 : vector<640x128xf32>
    %get3A_170 = arith.constant 3 : index
    %get3A_171 = arith.constant 0 : index
    %get3A_172 = arith.constant 0 : index
    %get3A_173 = vector.load %arg2[%get3A_170, %get3A_171, %get3A_172] : memref<4x640x128xf32, #tpu.memory_space<vmem>>, vector<1x640x128xf32>
    %get3A_174 = vector.shape_cast %get3A_173 : vector<1x640x128xf32> to vector<640x128xf32>
    %get3A_175 = arith.constant 0 : index
    %get3A_176 = arith.constant 0 : index
    %get3A_177 = vector.load %arg8[%get3A_175, %get3A_176] : memref<640x1xf32, #tpu.memory_space<vmem>>, vector<640x1xf32>
    %mul3A_178 = vector.broadcast %get3A_177 : vector<640x1xf32> to vector<640x128xf32>
    %mul3A_179 = arith.mulf %get3A_174, %mul3A_178 : vector<640x128xf32>
    %get3A_180 = arith.constant 3 : index
    %get3A_181 = arith.constant 0 : index
    %get3A_182 = arith.constant 0 : index
    %get3A_183 = vector.load %arg3[%get3A_180, %get3A_181, %get3A_182] : memref<4x1x128xf32, #tpu.memory_space<vmem>>, vector<1x1x128xf32>
    %get3A_184 = vector.shape_cast %get3A_183 : vector<1x1x128xf32> to vector<1x128xf32>
    %get3A_185 = arith.constant 3 : index
    %get3A_186 = arith.constant 0 : index
    %get3A_187 = arith.constant 0 : index
    %get3A_188 = vector.load %arg4[%get3A_185, %get3A_186, %get3A_187] : memref<4x1x128xf32, #tpu.memory_space<vmem>>, vector<1x1x128xf32>
    %get3A_189 = vector.shape_cast %get3A_188 : vector<1x1x128xf32> to vector<1x128xf32>
    %get3A_190 = arith.constant 3 : index
    %get3A_191 = arith.constant 0 : index
    %get3A_192 = vector.load %arg5[%get3A_190, %get3A_191] : memref<4x128xf32, #tpu.memory_space<vmem>>, vector<1x128xf32>
    %get3A_193 = vector.shape_cast %get3A_192 : vector<1x128xf32> to vector<128xf32>
    %get3A_194 = arith.constant 3 : index
    %get3A_195 = arith.constant 0 : index
    %get3A_196 = vector.load %arg6[%get3A_194, %get3A_195] : memref<4x128xf32, #tpu.memory_space<vmem>>, vector<1x128xf32>
    %get3A_197 = vector.shape_cast %get3A_196 : vector<1x128xf32> to vector<128xf32>
    %div3A_198 = arith.constant 1.000000e+04 : f32
    %div3A_199 = vector.broadcast %div3A_198 : f32 to vector<1x128xf32>
    %div3A_200 = arith.divf %get3A_184, %div3A_199 : vector<1x128xf32>
    %div3A_201 = arith.constant 1.000000e+04 : f32
    %div3A_202 = vector.broadcast %div3A_201 : f32 to vector<1x128xf32>
    %div3A_203 = arith.divf %get3A_189, %div3A_202 : vector<1x128xf32>
    %mul3A_204 = arith.mulf %div3A_200, %div3A_200 : vector<1x128xf32>
    %sub3A_205 = arith.subf %div3A_203, %mul3A_204 : vector<1x128xf32>
    %sub3A_206 = vector.broadcast %div3A_200 : vector<1x128xf32> to vector<640x128xf32>
    %sub3A_207 = arith.subf %mul3A_179, %sub3A_206 : vector<640x128xf32>
    %add3A_208 = arith.constant 9.99999974E-6 : f32
    %add3A_209 = vector.broadcast %add3A_208 : f32 to vector<1x128xf32>
    %add3A_210 = arith.addf %sub3A_205, %add3A_209 : vector<1x128xf32>
    %rsqrt3A_211 = math.rsqrt %add3A_210 : vector<1x128xf32>
    %mul3A_212 = vector.broadcast %rsqrt3A_211 : vector<1x128xf32> to vector<640x128xf32>
    %mul3A_213 = arith.mulf %sub3A_207, %mul3A_212 : vector<640x128xf32>
    %broadcast_in_dim3A_214 = vector.shape_cast %get3A_193 : vector<128xf32> to vector<1x128xf32>
    %mul3A_215 = vector.broadcast %broadcast_in_dim3A_214 : vector<1x128xf32> to vector<640x128xf32>
    %mul3A_216 = arith.mulf %mul3A_213, %mul3A_215 : vector<640x128xf32>
    %broadcast_in_dim3A_217 = vector.shape_cast %get3A_197 : vector<128xf32> to vector<1x128xf32>
    %add3A_218 = vector.broadcast %broadcast_in_dim3A_217 : vector<1x128xf32> to vector<640x128xf32>
    %add3A_219 = arith.addf %mul3A_216, %add3A_218 : vector<640x128xf32>
    %max3A_220 = arith.constant 0.000000e+00 : f32
    %max3A_221 = vector.broadcast %max3A_220 : f32 to vector<640x128xf32>
    %max3A_222 = arith.maximumf %add3A_219, %max3A_221 : vector<640x128xf32>
    %get3A_223 = arith.constant 384 : index
    %get3A_224 = arith.constant 0 : index
    %get3A_225 = vector.load %arg7[%get3A_223, %get3A_224] : memref<512x128xf32, #tpu.memory_space<vmem>>, vector<128x128xf32>
    %dot_general3A_226 = arith.constant dense<0.000000e+00> : vector<640x128xf32>
    %dot_general3A_227 = tpu.matmul %max3A_222, %get3A_225, %dot_general3A_226 {dimension_numbers = #tpu.dot_dimension_numbers<[1], [0], [0], [1], [0, 0, 1, 1], [], []>, transpose_lhs_hint = false} : vector<640x128xf32>, vector<128x128xf32>, vector<640x128xf32> -> vector<640x128xf32>
    %add3A_228 = arith.addf %add3A_169, %dot_general3A_227 : vector<640x128xf32>
    %get3A_229 = arith.constant 0 : index
    %get3A_230 = arith.constant 0 : index
    %get3A_231 = vector.load %arg8[%get3A_229, %get3A_230] : memref<640x1xf32, #tpu.memory_space<vmem>>, vector<640x1xf32>
    %mul3A_232 = vector.broadcast %get3A_231 : vector<640x1xf32> to vector<640x128xf32>
    %mul3A_233 = arith.mulf %add3A_228, %mul3A_232 : vector<640x128xf32>
    %swap3A = arith.constant 0 : index
    %swap3A_234 = arith.constant 0 : index
    %swap3A_235 = arith.constant 0 : index
    %swap3A_236 = vector.load %arg9[%swap3A, %swap3A_234, %swap3A_235] : memref<1x640x128xf32, #tpu.memory_space<vmem>>, vector<1x640x128xf32>
    %swap3A_237 = vector.shape_cast %swap3A_236 : vector<1x640x128xf32> to vector<640x128xf32>
    %swap3A_238 = vector.shape_cast %mul3A_233 : vector<640x128xf32> to vector<1x640x128xf32>
    tpu.vector_store %arg9[%swap3A, %swap3A_234, %swap3A_235], %swap3A_238 {strides = array<i32>} : memref<1x640x128xf32, #tpu.memory_space<vmem>>, vector<1x640x128xf32>,
    return
  }
  func.func @transform_0(%arg0: i32, %arg1: i32) -> (i32, i32, i32) {
    %c0_i32 = arith.constant 0 : i32
    %c0_i32_0 = arith.constant 0 : i32
    %c0_i32_1 = arith.constant 0 : i32
    return %c0_i32, %arg0, %c0_i32_0 : i32, i32, i32
  }
  func.func @transform_1(%arg0: i32, %arg1: i32) -> (i32, i32, i32) {
    %c0_i32 = arith.constant 0 : i32
    %c0_i32_0 = arith.constant 0 : i32
    %c0_i32_1 = arith.constant 0 : i32
    %c0_i32_2 = arith.constant 0 : i32
    return %c0_i32, %c0_i32_0, %c0_i32_1 : i32, i32, i32
  }
  func.func @transform_2(%arg0: i32, %arg1: i32) -> (i32, i32, i32) {
    %c0_i32 = arith.constant 0 : i32
    %c0_i32_0 = arith.constant 0 : i32
    %c0_i32_1 = arith.constant 0 : i32
    %c0_i32_2 = arith.constant 0 : i32
    return %c0_i32, %c0_i32_0, %c0_i32_1 : i32, i32, i32
  }
  func.func @transform_3(%arg0: i32, %arg1: i32) -> (i32, i32) {
    %c0_i32 = arith.constant 0 : i32
    %c0_i32_0 = arith.constant 0 : i32
    %c0_i32_1 = arith.constant 0 : i32
    return %c0_i32, %c0_i32_0 : i32, i32
  }
  func.func @transform_4(%arg0: i32, %arg1: i32) -> (i32, i32) {
    %c0_i32 = arith.constant 0 : i32
    %c0_i32_0 = arith.constant 0 : i32
    %c0_i32_1 = arith.constant 0 : i32
    return %c0_i32, %c0_i32_0 : i32, i32
  }
  func.func @transform_5(%arg0: i32, %arg1: i32) -> (i32, i32) {
    %c0_i32 = arith.constant 0 : i32
    %c0_i32_0 = arith.constant 0 : i32
    return %c0_i32, %arg1 : i32, i32
  }
  func.func @transform_6(%arg0: i32, %arg1: i32) -> (i32, i32) {
    %c0_i32 = arith.constant 0 : i32
    %c0_i32_0 = arith.constant 0 : i32
    return %arg0, %c0_i32 : i32, i32
  }
  func.func @transform_7(%arg0: i32, %arg1: i32) -> (i32, i32, i32) {
    %c0_i32 = arith.constant 0 : i32
    %c0_i32_0 = arith.constant 0 : i32
    return %arg1, %arg0, %c0_i32 : i32, i32, i32
  }
}

module attributes {stable_mosaic.version = 14 : i64} {
  func.func @_fin_body(%arg0: i32, %arg1: memref<4x1000x128xf32, #tpu.memory_space<vmem>>, %arg2: memref<4x1x128xf32, #tpu.memory_space<vmem>>, %arg3: memref<4x1x128xf32, #tpu.memory_space<vmem>>, %arg4: memref<4x128xf32, #tpu.memory_space<vmem>>, %arg5: memref<4x128xf32, #tpu.memory_space<vmem>>, %arg6: memref<4x128x2xf32, #tpu.memory_space<vmem>>, %arg7: memref<1x2xf32, #tpu.memory_space<vmem>>, %arg8: memref<1000x1xf32, #tpu.memory_space<vmem>>, %arg9: memref<1000x2xf32, #tpu.memory_space<vmem>>) attributes {dimension_semantics = [#tpu.dimension_semantics<arbitrary>], iteration_bounds = array<i64: 10>, scalar_prefetch = 0 : i64, scratch_operands = 0 : i64, tpu.core_type = #tpu.core_type<tc>, window_params = [{transform_indices = @transform_0, window_bounds = array<i64: 4, 1000, 128>}, {pipeline_mode = #tpu.pipeline_mode<synchronous>, transform_indices = @transform_1, window_bounds = array<i64: 4, 1, 128>}, {pipeline_mode = #tpu.pipeline_mode<synchronous>, transform_indices = @transform_2, window_bounds = array<i64: 4, 1, 128>}, {pipeline_mode = #tpu.pipeline_mode<synchronous>, transform_indices = @transform_3, window_bounds = array<i64: 4, 128>}, {pipeline_mode = #tpu.pipeline_mode<synchronous>, transform_indices = @transform_4, window_bounds = array<i64: 4, 128>}, {pipeline_mode = #tpu.pipeline_mode<synchronous>, transform_indices = @transform_5, window_bounds = array<i64: 4, 128, 2>}, {pipeline_mode = #tpu.pipeline_mode<synchronous>, transform_indices = @transform_6, window_bounds = array<i64: 1, 2>}, {transform_indices = @transform_7, window_bounds = array<i64: 1000, 1>}, {transform_indices = @transform_8, window_bounds = array<i64: 1000, 2>}]} {
    %broadcast_in_dim3A = arith.constant 0.000000e+00 : f32
    %broadcast_in_dim3A_0 = vector.broadcast %broadcast_in_dim3A : f32 to vector<1000x2xf32>
    %get3A = arith.constant 0 : index
    %get3A_1 = arith.constant 0 : index
    %get3A_2 = arith.constant 0 : index
    %get3A_3 = vector.load %arg1[%get3A, %get3A_1, %get3A_2] : memref<4x1000x128xf32, #tpu.memory_space<vmem>>, vector<1x1000x128xf32>
    %get3A_4 = vector.shape_cast %get3A_3 : vector<1x1000x128xf32> to vector<1000x128xf32>
    %get3A_5 = arith.constant 0 : index
    %get3A_6 = arith.constant 0 : index
    %get3A_7 = vector.load %arg8[%get3A_5, %get3A_6] : memref<1000x1xf32, #tpu.memory_space<vmem>>, vector<1000x1xf32>
    %mul3A = vector.broadcast %get3A_7 : vector<1000x1xf32> to vector<1000x128xf32>
    %mul3A_8 = arith.mulf %get3A_4, %mul3A : vector<1000x128xf32>
    %get3A_9 = arith.constant 0 : index
    %get3A_10 = arith.constant 0 : index
    %get3A_11 = arith.constant 0 : index
    %get3A_12 = vector.load %arg2[%get3A_9, %get3A_10, %get3A_11] : memref<4x1x128xf32, #tpu.memory_space<vmem>>, vector<1x1x128xf32>
    %get3A_13 = vector.shape_cast %get3A_12 : vector<1x1x128xf32> to vector<1x128xf32>
    %get3A_14 = arith.constant 0 : index
    %get3A_15 = arith.constant 0 : index
    %get3A_16 = arith.constant 0 : index
    %get3A_17 = vector.load %arg3[%get3A_14, %get3A_15, %get3A_16] : memref<4x1x128xf32, #tpu.memory_space<vmem>>, vector<1x1x128xf32>
    %get3A_18 = vector.shape_cast %get3A_17 : vector<1x1x128xf32> to vector<1x128xf32>
    %get3A_19 = arith.constant 0 : index
    %get3A_20 = arith.constant 0 : index
    %get3A_21 = vector.load %arg4[%get3A_19, %get3A_20] : memref<4x128xf32, #tpu.memory_space<vmem>>, vector<1x128xf32>
    %get3A_22 = vector.shape_cast %get3A_21 : vector<1x128xf32> to vector<128xf32>
    %get3A_23 = arith.constant 0 : index
    %get3A_24 = arith.constant 0 : index
    %get3A_25 = vector.load %arg5[%get3A_23, %get3A_24] : memref<4x128xf32, #tpu.memory_space<vmem>>, vector<1x128xf32>
    %get3A_26 = vector.shape_cast %get3A_25 : vector<1x128xf32> to vector<128xf32>
    %div3A = arith.constant 1.000000e+04 : f32
    %div3A_27 = vector.broadcast %div3A : f32 to vector<1x128xf32>
    %div3A_28 = arith.divf %get3A_13, %div3A_27 : vector<1x128xf32>
    %div3A_29 = arith.constant 1.000000e+04 : f32
    %div3A_30 = vector.broadcast %div3A_29 : f32 to vector<1x128xf32>
    %div3A_31 = arith.divf %get3A_18, %div3A_30 : vector<1x128xf32>
    %mul3A_32 = arith.mulf %div3A_28, %div3A_28 : vector<1x128xf32>
    %sub3A = arith.subf %div3A_31, %mul3A_32 : vector<1x128xf32>
    %sub3A_33 = vector.broadcast %div3A_28 : vector<1x128xf32> to vector<1000x128xf32>
    %sub3A_34 = arith.subf %mul3A_8, %sub3A_33 : vector<1000x128xf32>
    %add3A = arith.constant 9.99999974E-6 : f32
    %add3A_35 = vector.broadcast %add3A : f32 to vector<1x128xf32>
    %add3A_36 = arith.addf %sub3A, %add3A_35 : vector<1x128xf32>
    %rsqrt3A = math.rsqrt %add3A_36 : vector<1x128xf32>
    %mul3A_37 = vector.broadcast %rsqrt3A : vector<1x128xf32> to vector<1000x128xf32>
    %mul3A_38 = arith.mulf %sub3A_34, %mul3A_37 : vector<1000x128xf32>
    %broadcast_in_dim3A_39 = vector.shape_cast %get3A_22 : vector<128xf32> to vector<1x128xf32>
    %mul3A_40 = vector.broadcast %broadcast_in_dim3A_39 : vector<1x128xf32> to vector<1000x128xf32>
    %mul3A_41 = arith.mulf %mul3A_38, %mul3A_40 : vector<1000x128xf32>
    %broadcast_in_dim3A_42 = vector.shape_cast %get3A_26 : vector<128xf32> to vector<1x128xf32>
    %add3A_43 = vector.broadcast %broadcast_in_dim3A_42 : vector<1x128xf32> to vector<1000x128xf32>
    %add3A_44 = arith.addf %mul3A_41, %add3A_43 : vector<1000x128xf32>
    %max3A = arith.constant 0.000000e+00 : f32
    %max3A_45 = vector.broadcast %max3A : f32 to vector<1000x128xf32>
    %max3A_46 = arith.maximumf %add3A_44, %max3A_45 : vector<1000x128xf32>
    %get3A_47 = arith.constant 0 : index
    %get3A_48 = arith.constant 0 : index
    %get3A_49 = arith.constant 0 : index
    %get3A_50 = vector.load %arg6[%get3A_47, %get3A_48, %get3A_49] : memref<4x128x2xf32, #tpu.memory_space<vmem>>, vector<1x128x2xf32>
    %get3A_51 = vector.shape_cast %get3A_50 : vector<1x128x2xf32> to vector<128x2xf32>
    %dot_general3A = arith.constant dense<0.000000e+00> : vector<1000x2xf32>
    %dot_general3A_52 = tpu.matmul %max3A_46, %get3A_51, %dot_general3A {dimension_numbers = #tpu.dot_dimension_numbers<[1], [0], [0], [1], [0, 0, 1, 1], [], []>, transpose_lhs_hint = false} : vector<1000x128xf32>, vector<128x2xf32>, vector<1000x2xf32> -> vector<1000x2xf32>
    %add3A_53 = arith.addf %broadcast_in_dim3A_0, %dot_general3A_52 : vector<1000x2xf32>
    %get3A_54 = arith.constant 1 : index
    %get3A_55 = arith.constant 0 : index
    %get3A_56 = arith.constant 0 : index
    %get3A_57 = vector.load %arg1[%get3A_54, %get3A_55, %get3A_56] : memref<4x1000x128xf32, #tpu.memory_space<vmem>>, vector<1x1000x128xf32>
    %get3A_58 = vector.shape_cast %get3A_57 : vector<1x1000x128xf32> to vector<1000x128xf32>
    %get3A_59 = arith.constant 0 : index
    %get3A_60 = arith.constant 0 : index
    %get3A_61 = vector.load %arg8[%get3A_59, %get3A_60] : memref<1000x1xf32, #tpu.memory_space<vmem>>, vector<1000x1xf32>
    %mul3A_62 = vector.broadcast %get3A_61 : vector<1000x1xf32> to vector<1000x128xf32>
    %mul3A_63 = arith.mulf %get3A_58, %mul3A_62 : vector<1000x128xf32>
    %get3A_64 = arith.constant 1 : index
    %get3A_65 = arith.constant 0 : index
    %get3A_66 = arith.constant 0 : index
    %get3A_67 = vector.load %arg2[%get3A_64, %get3A_65, %get3A_66] : memref<4x1x128xf32, #tpu.memory_space<vmem>>, vector<1x1x128xf32>
    %get3A_68 = vector.shape_cast %get3A_67 : vector<1x1x128xf32> to vector<1x128xf32>
    %get3A_69 = arith.constant 1 : index
    %get3A_70 = arith.constant 0 : index
    %get3A_71 = arith.constant 0 : index
    %get3A_72 = vector.load %arg3[%get3A_69, %get3A_70, %get3A_71] : memref<4x1x128xf32, #tpu.memory_space<vmem>>, vector<1x1x128xf32>
    %get3A_73 = vector.shape_cast %get3A_72 : vector<1x1x128xf32> to vector<1x128xf32>
    %get3A_74 = arith.constant 1 : index
    %get3A_75 = arith.constant 0 : index
    %get3A_76 = vector.load %arg4[%get3A_74, %get3A_75] : memref<4x128xf32, #tpu.memory_space<vmem>>, vector<1x128xf32>
    %get3A_77 = vector.shape_cast %get3A_76 : vector<1x128xf32> to vector<128xf32>
    %get3A_78 = arith.constant 1 : index
    %get3A_79 = arith.constant 0 : index
    %get3A_80 = vector.load %arg5[%get3A_78, %get3A_79] : memref<4x128xf32, #tpu.memory_space<vmem>>, vector<1x128xf32>
    %get3A_81 = vector.shape_cast %get3A_80 : vector<1x128xf32> to vector<128xf32>
    %div3A_82 = arith.constant 1.000000e+04 : f32
    %div3A_83 = vector.broadcast %div3A_82 : f32 to vector<1x128xf32>
    %div3A_84 = arith.divf %get3A_68, %div3A_83 : vector<1x128xf32>
    %div3A_85 = arith.constant 1.000000e+04 : f32
    %div3A_86 = vector.broadcast %div3A_85 : f32 to vector<1x128xf32>
    %div3A_87 = arith.divf %get3A_73, %div3A_86 : vector<1x128xf32>
    %mul3A_88 = arith.mulf %div3A_84, %div3A_84 : vector<1x128xf32>
    %sub3A_89 = arith.subf %div3A_87, %mul3A_88 : vector<1x128xf32>
    %sub3A_90 = vector.broadcast %div3A_84 : vector<1x128xf32> to vector<1000x128xf32>
    %sub3A_91 = arith.subf %mul3A_63, %sub3A_90 : vector<1000x128xf32>
    %add3A_92 = arith.constant 9.99999974E-6 : f32
    %add3A_93 = vector.broadcast %add3A_92 : f32 to vector<1x128xf32>
    %add3A_94 = arith.addf %sub3A_89, %add3A_93 : vector<1x128xf32>
    %rsqrt3A_95 = math.rsqrt %add3A_94 : vector<1x128xf32>
    %mul3A_96 = vector.broadcast %rsqrt3A_95 : vector<1x128xf32> to vector<1000x128xf32>
    %mul3A_97 = arith.mulf %sub3A_91, %mul3A_96 : vector<1000x128xf32>
    %broadcast_in_dim3A_98 = vector.shape_cast %get3A_77 : vector<128xf32> to vector<1x128xf32>
    %mul3A_99 = vector.broadcast %broadcast_in_dim3A_98 : vector<1x128xf32> to vector<1000x128xf32>
    %mul3A_100 = arith.mulf %mul3A_97, %mul3A_99 : vector<1000x128xf32>
    %broadcast_in_dim3A_101 = vector.shape_cast %get3A_81 : vector<128xf32> to vector<1x128xf32>
    %add3A_102 = vector.broadcast %broadcast_in_dim3A_101 : vector<1x128xf32> to vector<1000x128xf32>
    %add3A_103 = arith.addf %mul3A_100, %add3A_102 : vector<1000x128xf32>
    %max3A_104 = arith.constant 0.000000e+00 : f32
    %max3A_105 = vector.broadcast %max3A_104 : f32 to vector<1000x128xf32>
    %max3A_106 = arith.maximumf %add3A_103, %max3A_105 : vector<1000x128xf32>
    %get3A_107 = arith.constant 1 : index
    %get3A_108 = arith.constant 0 : index
    %get3A_109 = arith.constant 0 : index
    %get3A_110 = vector.load %arg6[%get3A_107, %get3A_108, %get3A_109] : memref<4x128x2xf32, #tpu.memory_space<vmem>>, vector<1x128x2xf32>
    %get3A_111 = vector.shape_cast %get3A_110 : vector<1x128x2xf32> to vector<128x2xf32>
    %dot_general3A_112 = arith.constant dense<0.000000e+00> : vector<1000x2xf32>
    %dot_general3A_113 = tpu.matmul %max3A_106, %get3A_111, %dot_general3A_112 {dimension_numbers = #tpu.dot_dimension_numbers<[1], [0], [0], [1], [0, 0, 1, 1], [], []>, transpose_lhs_hint = false} : vector<1000x128xf32>, vector<128x2xf32>, vector<1000x2xf32> -> vector<1000x2xf32>
    %add3A_114 = arith.addf %add3A_53, %dot_general3A_113 : vector<1000x2xf32>
    %get3A_115 = arith.constant 2 : index
    %get3A_116 = arith.constant 0 : index
    %get3A_117 = arith.constant 0 : index
    %get3A_118 = vector.load %arg1[%get3A_115, %get3A_116, %get3A_117] : memref<4x1000x128xf32, #tpu.memory_space<vmem>>, vector<1x1000x128xf32>
    %get3A_119 = vector.shape_cast %get3A_118 : vector<1x1000x128xf32> to vector<1000x128xf32>
    %get3A_120 = arith.constant 0 : index
    %get3A_121 = arith.constant 0 : index
    %get3A_122 = vector.load %arg8[%get3A_120, %get3A_121] : memref<1000x1xf32, #tpu.memory_space<vmem>>, vector<1000x1xf32>
    %mul3A_123 = vector.broadcast %get3A_122 : vector<1000x1xf32> to vector<1000x128xf32>
    %mul3A_124 = arith.mulf %get3A_119, %mul3A_123 : vector<1000x128xf32>
    %get3A_125 = arith.constant 2 : index
    %get3A_126 = arith.constant 0 : index
    %get3A_127 = arith.constant 0 : index
    %get3A_128 = vector.load %arg2[%get3A_125, %get3A_126, %get3A_127] : memref<4x1x128xf32, #tpu.memory_space<vmem>>, vector<1x1x128xf32>
    %get3A_129 = vector.shape_cast %get3A_128 : vector<1x1x128xf32> to vector<1x128xf32>
    %get3A_130 = arith.constant 2 : index
    %get3A_131 = arith.constant 0 : index
    %get3A_132 = arith.constant 0 : index
    %get3A_133 = vector.load %arg3[%get3A_130, %get3A_131, %get3A_132] : memref<4x1x128xf32, #tpu.memory_space<vmem>>, vector<1x1x128xf32>
    %get3A_134 = vector.shape_cast %get3A_133 : vector<1x1x128xf32> to vector<1x128xf32>
    %get3A_135 = arith.constant 2 : index
    %get3A_136 = arith.constant 0 : index
    %get3A_137 = vector.load %arg4[%get3A_135, %get3A_136] : memref<4x128xf32, #tpu.memory_space<vmem>>, vector<1x128xf32>
    %get3A_138 = vector.shape_cast %get3A_137 : vector<1x128xf32> to vector<128xf32>
    %get3A_139 = arith.constant 2 : index
    %get3A_140 = arith.constant 0 : index
    %get3A_141 = vector.load %arg5[%get3A_139, %get3A_140] : memref<4x128xf32, #tpu.memory_space<vmem>>, vector<1x128xf32>
    %get3A_142 = vector.shape_cast %get3A_141 : vector<1x128xf32> to vector<128xf32>
    %div3A_143 = arith.constant 1.000000e+04 : f32
    %div3A_144 = vector.broadcast %div3A_143 : f32 to vector<1x128xf32>
    %div3A_145 = arith.divf %get3A_129, %div3A_144 : vector<1x128xf32>
    %div3A_146 = arith.constant 1.000000e+04 : f32
    %div3A_147 = vector.broadcast %div3A_146 : f32 to vector<1x128xf32>
    %div3A_148 = arith.divf %get3A_134, %div3A_147 : vector<1x128xf32>
    %mul3A_149 = arith.mulf %div3A_145, %div3A_145 : vector<1x128xf32>
    %sub3A_150 = arith.subf %div3A_148, %mul3A_149 : vector<1x128xf32>
    %sub3A_151 = vector.broadcast %div3A_145 : vector<1x128xf32> to vector<1000x128xf32>
    %sub3A_152 = arith.subf %mul3A_124, %sub3A_151 : vector<1000x128xf32>
    %add3A_153 = arith.constant 9.99999974E-6 : f32
    %add3A_154 = vector.broadcast %add3A_153 : f32 to vector<1x128xf32>
    %add3A_155 = arith.addf %sub3A_150, %add3A_154 : vector<1x128xf32>
    %rsqrt3A_156 = math.rsqrt %add3A_155 : vector<1x128xf32>
    %mul3A_157 = vector.broadcast %rsqrt3A_156 : vector<1x128xf32> to vector<1000x128xf32>
    %mul3A_158 = arith.mulf %sub3A_152, %mul3A_157 : vector<1000x128xf32>
    %broadcast_in_dim3A_159 = vector.shape_cast %get3A_138 : vector<128xf32> to vector<1x128xf32>
    %mul3A_160 = vector.broadcast %broadcast_in_dim3A_159 : vector<1x128xf32> to vector<1000x128xf32>
    %mul3A_161 = arith.mulf %mul3A_158, %mul3A_160 : vector<1000x128xf32>
    %broadcast_in_dim3A_162 = vector.shape_cast %get3A_142 : vector<128xf32> to vector<1x128xf32>
    %add3A_163 = vector.broadcast %broadcast_in_dim3A_162 : vector<1x128xf32> to vector<1000x128xf32>
    %add3A_164 = arith.addf %mul3A_161, %add3A_163 : vector<1000x128xf32>
    %max3A_165 = arith.constant 0.000000e+00 : f32
    %max3A_166 = vector.broadcast %max3A_165 : f32 to vector<1000x128xf32>
    %max3A_167 = arith.maximumf %add3A_164, %max3A_166 : vector<1000x128xf32>
    %get3A_168 = arith.constant 2 : index
    %get3A_169 = arith.constant 0 : index
    %get3A_170 = arith.constant 0 : index
    %get3A_171 = vector.load %arg6[%get3A_168, %get3A_169, %get3A_170] : memref<4x128x2xf32, #tpu.memory_space<vmem>>, vector<1x128x2xf32>
    %get3A_172 = vector.shape_cast %get3A_171 : vector<1x128x2xf32> to vector<128x2xf32>
    %dot_general3A_173 = arith.constant dense<0.000000e+00> : vector<1000x2xf32>
    %dot_general3A_174 = tpu.matmul %max3A_167, %get3A_172, %dot_general3A_173 {dimension_numbers = #tpu.dot_dimension_numbers<[1], [0], [0], [1], [0, 0, 1, 1], [], []>, transpose_lhs_hint = false} : vector<1000x128xf32>, vector<128x2xf32>, vector<1000x2xf32> -> vector<1000x2xf32>
    %add3A_175 = arith.addf %add3A_114, %dot_general3A_174 : vector<1000x2xf32>
    %get3A_176 = arith.constant 3 : index
    %get3A_177 = arith.constant 0 : index
    %get3A_178 = arith.constant 0 : index
    %get3A_179 = vector.load %arg1[%get3A_176, %get3A_177, %get3A_178] : memref<4x1000x128xf32, #tpu.memory_space<vmem>>, vector<1x1000x128xf32>
    %get3A_180 = vector.shape_cast %get3A_179 : vector<1x1000x128xf32> to vector<1000x128xf32>
    %get3A_181 = arith.constant 0 : index
    %get3A_182 = arith.constant 0 : index
    %get3A_183 = vector.load %arg8[%get3A_181, %get3A_182] : memref<1000x1xf32, #tpu.memory_space<vmem>>, vector<1000x1xf32>
    %mul3A_184 = vector.broadcast %get3A_183 : vector<1000x1xf32> to vector<1000x128xf32>
    %mul3A_185 = arith.mulf %get3A_180, %mul3A_184 : vector<1000x128xf32>
    %get3A_186 = arith.constant 3 : index
    %get3A_187 = arith.constant 0 : index
    %get3A_188 = arith.constant 0 : index
    %get3A_189 = vector.load %arg2[%get3A_186, %get3A_187, %get3A_188] : memref<4x1x128xf32, #tpu.memory_space<vmem>>, vector<1x1x128xf32>
    %get3A_190 = vector.shape_cast %get3A_189 : vector<1x1x128xf32> to vector<1x128xf32>
    %get3A_191 = arith.constant 3 : index
    %get3A_192 = arith.constant 0 : index
    %get3A_193 = arith.constant 0 : index
    %get3A_194 = vector.load %arg3[%get3A_191, %get3A_192, %get3A_193] : memref<4x1x128xf32, #tpu.memory_space<vmem>>, vector<1x1x128xf32>
    %get3A_195 = vector.shape_cast %get3A_194 : vector<1x1x128xf32> to vector<1x128xf32>
    %get3A_196 = arith.constant 3 : index
    %get3A_197 = arith.constant 0 : index
    %get3A_198 = vector.load %arg4[%get3A_196, %get3A_197] : memref<4x128xf32, #tpu.memory_space<vmem>>, vector<1x128xf32>
    %get3A_199 = vector.shape_cast %get3A_198 : vector<1x128xf32> to vector<128xf32>
    %get3A_200 = arith.constant 3 : index
    %get3A_201 = arith.constant 0 : index
    %get3A_202 = vector.load %arg5[%get3A_200, %get3A_201] : memref<4x128xf32, #tpu.memory_space<vmem>>, vector<1x128xf32>
    %get3A_203 = vector.shape_cast %get3A_202 : vector<1x128xf32> to vector<128xf32>
    %div3A_204 = arith.constant 1.000000e+04 : f32
    %div3A_205 = vector.broadcast %div3A_204 : f32 to vector<1x128xf32>
    %div3A_206 = arith.divf %get3A_190, %div3A_205 : vector<1x128xf32>
    %div3A_207 = arith.constant 1.000000e+04 : f32
    %div3A_208 = vector.broadcast %div3A_207 : f32 to vector<1x128xf32>
    %div3A_209 = arith.divf %get3A_195, %div3A_208 : vector<1x128xf32>
    %mul3A_210 = arith.mulf %div3A_206, %div3A_206 : vector<1x128xf32>
    %sub3A_211 = arith.subf %div3A_209, %mul3A_210 : vector<1x128xf32>
    %sub3A_212 = vector.broadcast %div3A_206 : vector<1x128xf32> to vector<1000x128xf32>
    %sub3A_213 = arith.subf %mul3A_185, %sub3A_212 : vector<1000x128xf32>
    %add3A_214 = arith.constant 9.99999974E-6 : f32
    %add3A_215 = vector.broadcast %add3A_214 : f32 to vector<1x128xf32>
    %add3A_216 = arith.addf %sub3A_211, %add3A_215 : vector<1x128xf32>
    %rsqrt3A_217 = math.rsqrt %add3A_216 : vector<1x128xf32>
    %mul3A_218 = vector.broadcast %rsqrt3A_217 : vector<1x128xf32> to vector<1000x128xf32>
    %mul3A_219 = arith.mulf %sub3A_213, %mul3A_218 : vector<1000x128xf32>
    %broadcast_in_dim3A_220 = vector.shape_cast %get3A_199 : vector<128xf32> to vector<1x128xf32>
    %mul3A_221 = vector.broadcast %broadcast_in_dim3A_220 : vector<1x128xf32> to vector<1000x128xf32>
    %mul3A_222 = arith.mulf %mul3A_219, %mul3A_221 : vector<1000x128xf32>
    %broadcast_in_dim3A_223 = vector.shape_cast %get3A_203 : vector<128xf32> to vector<1x128xf32>
    %add3A_224 = vector.broadcast %broadcast_in_dim3A_223 : vector<1x128xf32> to vector<1000x128xf32>
    %add3A_225 = arith.addf %mul3A_222, %add3A_224 : vector<1000x128xf32>
    %max3A_226 = arith.constant 0.000000e+00 : f32
    %max3A_227 = vector.broadcast %max3A_226 : f32 to vector<1000x128xf32>
    %max3A_228 = arith.maximumf %add3A_225, %max3A_227 : vector<1000x128xf32>
    %get3A_229 = arith.constant 3 : index
    %get3A_230 = arith.constant 0 : index
    %get3A_231 = arith.constant 0 : index
    %get3A_232 = vector.load %arg6[%get3A_229, %get3A_230, %get3A_231] : memref<4x128x2xf32, #tpu.memory_space<vmem>>, vector<1x128x2xf32>
    %get3A_233 = vector.shape_cast %get3A_232 : vector<1x128x2xf32> to vector<128x2xf32>
    %dot_general3A_234 = arith.constant dense<0.000000e+00> : vector<1000x2xf32>
    %dot_general3A_235 = tpu.matmul %max3A_228, %get3A_233, %dot_general3A_234 {dimension_numbers = #tpu.dot_dimension_numbers<[1], [0], [0], [1], [0, 0, 1, 1], [], []>, transpose_lhs_hint = false} : vector<1000x128xf32>, vector<128x2xf32>, vector<1000x2xf32> -> vector<1000x2xf32>
    %add3A_236 = arith.addf %add3A_175, %dot_general3A_235 : vector<1000x2xf32>
    %get3A_237 = arith.constant 0 : index
    %get3A_238 = arith.constant 0 : index
    %get3A_239 = vector.load %arg7[%get3A_237, %get3A_238] : memref<1x2xf32, #tpu.memory_space<vmem>>, vector<1x2xf32>
    %add3A_240 = vector.broadcast %get3A_239 : vector<1x2xf32> to vector<1000x2xf32>
    %add3A_241 = arith.addf %add3A_236, %add3A_240 : vector<1000x2xf32>
    %swap3A = arith.constant 0 : index
    %swap3A_242 = arith.constant 0 : index
    %swap3A_243 = vector.load %arg9[%swap3A, %swap3A_242] : memref<1000x2xf32, #tpu.memory_space<vmem>>, vector<1000x2xf32>
    tpu.vector_store %arg9[%swap3A, %swap3A_242], %add3A_241 {strides = array<i32>} : memref<1000x2xf32, #tpu.memory_space<vmem>>, vector<1000x2xf32>,
    return
  }
  func.func @transform_0(%arg0: i32) -> (i32, i32, i32) {
    %c0_i32 = arith.constant 0 : i32
    %c0_i32_0 = arith.constant 0 : i32
    %c0_i32_1 = arith.constant 0 : i32
    return %c0_i32, %arg0, %c0_i32_0 : i32, i32, i32
  }
  func.func @transform_1(%arg0: i32) -> (i32, i32, i32) {
    %c0_i32 = arith.constant 0 : i32
    %c0_i32_0 = arith.constant 0 : i32
    %c0_i32_1 = arith.constant 0 : i32
    %c0_i32_2 = arith.constant 0 : i32
    return %c0_i32, %c0_i32_0, %c0_i32_1 : i32, i32, i32
  }
  func.func @transform_2(%arg0: i32) -> (i32, i32, i32) {
    %c0_i32 = arith.constant 0 : i32
    %c0_i32_0 = arith.constant 0 : i32
    %c0_i32_1 = arith.constant 0 : i32
    %c0_i32_2 = arith.constant 0 : i32
    return %c0_i32, %c0_i32_0, %c0_i32_1 : i32, i32, i32
  }
  func.func @transform_3(%arg0: i32) -> (i32, i32) {
    %c0_i32 = arith.constant 0 : i32
    %c0_i32_0 = arith.constant 0 : i32
    %c0_i32_1 = arith.constant 0 : i32
    return %c0_i32, %c0_i32_0 : i32, i32
  }
  func.func @transform_4(%arg0: i32) -> (i32, i32) {
    %c0_i32 = arith.constant 0 : i32
    %c0_i32_0 = arith.constant 0 : i32
    %c0_i32_1 = arith.constant 0 : i32
    return %c0_i32, %c0_i32_0 : i32, i32
  }
  func.func @transform_5(%arg0: i32) -> (i32, i32, i32) {
    %c0_i32 = arith.constant 0 : i32
    %c0_i32_0 = arith.constant 0 : i32
    %c0_i32_1 = arith.constant 0 : i32
    %c0_i32_2 = arith.constant 0 : i32
    return %c0_i32, %c0_i32_0, %c0_i32_1 : i32, i32, i32
  }
  func.func @transform_6(%arg0: i32) -> (i32, i32) {
    %c0_i32 = arith.constant 0 : i32
    %c0_i32_0 = arith.constant 0 : i32
    %c0_i32_1 = arith.constant 0 : i32
    return %c0_i32, %c0_i32_0 : i32, i32
  }
  func.func @transform_7(%arg0: i32) -> (i32, i32) {
    %c0_i32 = arith.constant 0 : i32
    %c0_i32_0 = arith.constant 0 : i32
    return %arg0, %c0_i32 : i32, i32
  }
  func.func @transform_8(%arg0: i32) -> (i32, i32) {
    %c0_i32 = arith.constant 0 : i32
    %c0_i32_0 = arith.constant 0 : i32
    return %arg0, %c0_i32 : i32, i32
  }
}

</mosaic_0001>

<sc_bundles>
// kernel: kernel.11.cloned.1.call-start
scs
__scs_entry_jumppad:
0x0: {  	(pc) =	sbr.rel $0x88, $3  }
0x1: {  	(tag) =	ssettag $0x0;
	lr =	simm.s32 $0x1  }
0x2: {  	[smem:$0x3F97] =	sst lr;
	_ =	strace $0xD0000000  }
0x3: {  	_ = 	snop  }
0x4: {  	_ = 	snop  }
0x5: {  	_ = 	snop  }
0x6: {  	_ = 	snop  }
0x7: {  	_ = 	snop  }
__scs_overlays_trampoline_lowered:
0x8: {  	[smem:$0x3FA6] =	sst s0  }
0x9: {  	[smem:$0x3FA7] =	sst s1  }
0xa: {  	[smem:$0x3FA8] =	sst s2  }
0xb: {  	[smem:$0x3FA9] =	sst s3  }
0xc: {  	[smem:$0x3FAA] =	sst s4  }
0xd: {  	[smem:$0x3FAB] =	sst s5  }
0xe: {  	[smem:$0x3FAC] =	sst s6  }
0xf: {  	[smem:$0x3FAD] =	sst s7  }
0x10: {  	[smem:$0x3FAE] =	sst s8  }
0x11: {  	[smem:$0x3FAF] =	sst s9;
	s0 =	simm.s32 @!p0 $0x0  }
0x12: {  	s1 =	sld [smem:$0x3F95];
	s0 =	simm.s32 @p0 $0x1  }
0x13: {  	[smem:$0x3FB0] =	sst s0;
	s0 =	simm.s32 @!p1 $0x0  }
0x14: {  	s2 =	sld [smem:$0x3F94];
	s0 =	simm.s32 @p1 $0x1  }
0x15: {  	[smem:$0x3FB1] =	sst s0;
	s0 =	simm.s32 @!p2 $0x0  }
0x16: {  	s3 =	sld [smem:$0x3FDB];
	s0 =	simm.s32 @p2 $0x1  }
0x17: {  	s4 =	simm.s32 $0x1BF5;
	[smem:$0x3FB3] =	sst s0  }
0x18: {  	s0 =	sld [smem:$0x3F96];
	_ =	swait.ge [sflag:s4], $0x0  }
0x19: {  	s7 =	sld [smem:$0x3F97]  }
0x1a: {  	s8 =	sadd.s32 $0xFFFFE003, lr  }
0x1b: {  	s9 =	sadd.s32 $0xFFFFFEF7, lr;
	s5 =	simm.s32 $0xFFFFFFFF;
	p2 =	slt.u32 s8, $0xFFFFF086  }
0x1c: {  	p1 =	slt.u32 s9, $0xF7A;
	s5 =	simm.s32 @!p2 $0x0  }
0x1d: {  	s5 =	simm.s32 @p1 $0x1;
	p0 =	seq.s32 s7, s2  }
0x1e: {  	s7 =	smul.u32 @!p0 $0xF7A, s2;
	p2 =	seq.s32 @!p0 s5, $0x0  }
0x1f: {  	s9 =	smul.u32 $0xF7A, s1;
	s8 =	simm.s32 @!p0 $0x1BF5;
	p2 =	por !p2, p0  }
0x20: {  	[sflag:s8] =	ssyncset.s32 @!p0 $0xFFFFF086;
	s6 =	sadd.s32 @!p0 s3, s7;
	s7 =	simm.s32 @!p0 $0x108  }
0x21: {  	s3 =	sadd.s32 s3, s9;
	s6 =	sadd.s32 @!p0 $0x88, s6;
	s7 =	simm.s32 @p2 $0x1082  }
0x22: {  	[simem:s7], [sflag:s8] =	dma.local @!p0 [hbm:s6], $0xF7A  }
0x23: {  	s9 =	sor.u32 $0xD0000000, s2;
	s6 =	simm.s32 $0x108;
	_ =	swait.ge @!p0 [sflag:s8], $0x0  }
0x24: {  	s3 =	sadd.s32 $0x88, s3;
	s6 =	simm.s32 @!p1 $0x1082;
	[sflag:s4] =	ssyncset.s32 $0xFFFFF086  }
0x25: {  	[simem:s6], [sflag:s4] =	dma.local [hbm:s3], $0xF7A  }
0x26: {  	[smem:$0x3F97] =	sst s1;
	(tag) =	ssettag s2;
	_ =	strace s9  }
0x27: {  	s1 =	sld [smem:$0x3FA7]  }
0x28: {  	s2 =	sld [smem:$0x3FA8]  }
0x29: {  	s4 =	sld [smem:$0x3FAA]  }
0x2a: {  	p0 =	seq.s32 s5, $0x0;
	s5 =	sld [smem:$0x3FAB]  }
0x2b: {  	s6 =	sld [smem:$0x3FAC]  }
0x2c: {  	s7 =	sld [smem:$0x3FAD]  }
0x2d: {  	s3 =	simm.s32 $0x108;
	s8 =	sld [smem:$0x3FAE]  }
0x2e: {  	s3 =	simm.s32 @!p0 $0x1082;
	s9 =	sld [smem:$0x3FAF]  }
0x2f: {  	lr =	sadd.s32 s0, s3;
	s0 =	sld [smem:$0x3FA6]  }
0x30: {  	s3 =	sld [smem:$0x3FA9]  }
0x31: {  	[smem:$0x3FB2] =	sst s10  }
0x32: {  	s10 =	sld [smem:$0x3FB0];
	_ =	sdelay $0x3  }
0x33: {  	p0 =	seq.s32 s10, $0x1;
	s10 =	sld [smem:$0x3FB2];
	_ =	sdelay $0x3  }
0x34: {  	[smem:$0x3FB2] =	sst s10  }
0x35: {  	s10 =	sld [smem:$0x3FB1];
	_ =	sdelay $0x3  }
0x36: {  	p1 =	seq.s32 s10, $0x1;
	s10 =	sld [smem:$0x3FB2];
	_ =	sdelay $0x3  }
0x37: {  	[smem:$0x3FB2] =	sst s10  }
0x38: {  	s10 =	sld [smem:$0x3FB3]  }
0x39: {  	_ = 	snop;
	(pc) =	sbr.ind lr, $3  }
0x3a: {  	_ = 	snop  }
0x3b: {  	_ = 	snop  }
0x3c: {  	p2 =	seq.s32 s10, $0x1;
	s10 =	sld [smem:$0x3FB2]  }
0x3d: {  	_ =	shalt  }
0x3e: {  	_ =	shalt  }
0x3f: {  	_ =	shalt  }
0x40: {  	_ =	shalt  }
0x41: {  	_ =	shalt  }
0x42: {  	_ =	shalt  }
0x43: {  	_ =	shalt  }
0x44: {  	_ =	shalt  }
0x45: {  	_ =	shalt  }
0x46: {  	_ =	shalt  }
0x47: {  	_ =	shalt  }
0x48: {  	_ =	shalt  }
0x49: {  	_ =	shalt  }
0x4a: {  	_ =	shalt  }
0x4b: {  	_ =	shalt  }
0x4c: {  	_ =	shalt  }
0x4d: {  	_ =	shalt  }
0x4e: {  	_ =	shalt  }
0x4f: {  	_ =	shalt  }
0x50: {  	_ =	shalt  }
0x51: {  	_ =	shalt  }
0x52: {  	_ =	shalt  }
0x53: {  	_ =	shalt  }
0x54: {  	_ =	shalt  }
0x55: {  	_ =	shalt  }
0x56: {  	_ =	shalt  }
0x57: {  	_ =	shalt  }
0x58: {  	_ =	shalt  }
0x59: {  	_ =	shalt  }
0x5a: {  	_ =	shalt  }
0x5b: {  	_ =	shalt  }
0x5c: {  	_ =	shalt  }
0x5d: {  	_ =	shalt  }
0x5e: {  	_ =	shalt  }
0x5f: {  	_ =	shalt  }
0x60: {  	_ =	shalt  }
0x61: {  	_ =	shalt  }
0x62: {  	_ =	shalt  }
0x63: {  	_ =	shalt  }
0x64: {  	_ =	shalt  }
0x65: {  	_ =	shalt  }
0x66: {  	_ =	shalt  }
0x67: {  	_ =	shalt  }
0x68: {  	_ =	shalt  }
0x69: {  	_ =	shalt  }
0x6a: {  	_ =	shalt  }
0x6b: {  	_ =	shalt  }
0x6c: {  	_ =	shalt  }
0x6d: {  	_ =	shalt  }
0x6e: {  	_ =	shalt  }
0x6f: {  	_ =	shalt  }
0x70: {  	_ =	shalt  }
0x71: {  	_ =	shalt  }
0x72: {  	_ =	shalt  }
0x73: {  	_ =	shalt  }
0x74: {  	_ =	shalt  }
0x75: {  	_ =	shalt  }
0x76: {  	_ =	shalt  }
0x77: {  	_ =	shalt  }
0x78: {  	_ =	shalt  }
0x79: {  	_ =	shalt  }
0x7a: {  	_ =	shalt  }
0x7b: {  	_ =	shalt  }
0x7c: {  	_ =	shalt  }
0x7d: {  	_ =	shalt  }
0x7e: {  	_ =	shalt  }
0x7f: {  	_ =	shalt  }
0x80: {  	_ =	shalt  }
0x81: {  	_ =	shalt  }
0x82: {  	_ =	shalt  }
0x83: {  	_ =	shalt  }
0x84: {  	_ =	shalt  }
0x85: {  	_ =	shalt  }
0x86: {  	_ =	shalt  }
0x87: {  	_ =	shalt  }
.Lfunc_end0:
.L_simem_size_0:
called_computation_lowered:
.L_overlay_start_0:
0x88: {  	s2 =	sld [smem:$0x3FD9]  }
0x89: {  	s3 =	sld [smem:$0x3FFE];
	_ =	sdelay $0x1  }
0x8a: {  	s1 =	srdreg.scid  }
0x8b: {  	s0 =	sand.u32 $0x1, s1  }
0x8c: {  	s16 =	sshll.u32 s0, $0xA;
	s2 =	sadd.s32 s3, s2  }
0x8d: {  	s2 =	sadd.s32 s2, s16  }
0x8e: {  	[smem:$0x3FBE] =	sst s2  }
0x8f: {  	_ = 	snop  }
0x90: {  	(tm) =	ssettm $0x1  }
0x91: {  	s17 =	sld [smem:$0x3FFB];
	_ =	sdelay $0x3  }
0x92: {  	_ =	strace s17  }
0x93: {  	s2 =	sld [smem:$0x3FFC];
	_ =	sdelay $0x3  }
0x94: {  	_ =	strace s2  }
0x95: {  	s2 =	sld [smem:$0x3FFD];
	_ =	sdelay $0x3  }
0x96: {  	_ =	strace s2  }
0x97: {  	_ =	strace $0x8FFFFFFF  }
0x98: {  	s18 =	sld [smem:$0x3FDB];
	_ =	sdelay $0x1  }
0x99: {  	s19 =	simm.s32 $_scs_section_size  }
0x9a: {  	s4 =	simm.s32 $_size__tile_overlayer_lowered;
	s5 =	simm.s32 $_tile_overlayer_lowered  }
0x9b: {  	s22 =	simm.s32 $0x1BFF;
	s21 =	sshll.u32 s5, $0x1;
	s2 =	sadd.s32 s19, s18  }
0x9c: {  	s6 =	simm.s32 $0x0;
	s20 =	sshll.u32 s4, $0x1;
	s4 =	sadd.s32 s21, s2  }
0x9d: {  	[timem:s6], [sflag:s22] =	dma.local [hbm:s4], s20  }
0x9e: {  	_ =	swait.ge [sflag:s22], s20  }
0x9f: {  	s3 =	ssub.s32 $0x0, s20;
	[sflag:s22] =	ssyncset.done $0x0  }
0xa0: {  	[sflag:s22] =	ssyncadd.s32 s3;
	_ =	sdelay $0x1  }
0xa1: {  	s23 =	simm.s32 $0x1B8B  }
0xa2: {  	_ =	swait.ge [sflag:s23], $0x1  }
0xa3: {  	[sflag:s23] =	ssyncset.done $0x0  }
0xa4: {  	s25 =	simm.s32 $0x1B8E;
	s24 =	sld [smem:$0x3FFE];
	[sflag:s23] =	ssyncadd.s32 $0xFFFFFFFF  }
0xa5: {  	s26 =	simm.s32 $execute0_lowered;
	[smem:$0x3FD2] =	sst s25  }
0xa6: {  	s4 =	sshll.u32 s26, $0x1;
	_ =	strace $0x80000046;
	[dreg:$0x1] =	wrdreg $0xFFFFFFFF  }
0xa7: {  	s28 =	simm.s32 $_size_execute0_lowered;
	s2 =	sadd.s32 s2, s4;
	[dreg:$0x0] =	wrdreg $0x0  }
0xa8: {  	s4 =	sshll.u32 s28, $0x1;
	[dreg:$0x2] =	wrdreg s2  }
0xa9: {  	[dreg:$0x3] =	wrdreg s4  }
0xaa: {  	[dreg:$0x4] =	wrdreg $0xC0  }
0xab: {  	_ =	task [dreg:s6], $0x5FFFF  }
0xac: {  	[dreg:$0x1] =	wrdreg $0xFFFFFFFF  }
0xad: {  	[dreg:$0x0] =	wrdreg $0x60  }
0xae: {  	[dreg:$0x2] =	wrdreg s24  }
0xaf: {  	[dreg:$0x3] =	wrdreg $0x0  }
0xb0: {  	[dreg:$0x4] =	wrdreg $0x9  }
0xb1: {  	_ =	task.clear_ibuf [dreg:s6], $0x5FFFF;
	_ =	strace $0x90000046  }
0xb2: {  	s29 =	simm.s32 $0x9;
	_ =	strace $0x80000048  }
0xb3: {  	_ =	swait.ge [sflag:s29], $0x1  }
0xb4: {  	[sflag:s29] =	ssyncadd.s32 $0xFFFFFFFF  }
0xb5: {  	_ =	strace $0x90000048  }
0xb6: {  	_ =	sfence  }
0xb7: {  	s30 =	sld [smem:$0x0];
	_ =	sdelay $0x2  }
0xb8: {  	s31 =	sshll.u32 s1, $0xD;
	s1 =	sshrl.u32 s1, $0x2  }
0xb9: {  	s3 =	sand.u32 $0x4000, s31;
	s1 =	sadd.s32 s1, s30  }
0xba: {  	s0 =	sor.u32 s3, s0;
	s1 =	sshll.u32 s1, $0x11  }
0xbb: {  	s0 =	sor.u32 s1, s0  }
0xbc: {  	s0 =	sadd.s32 $0x8F2B, s0  }
0xbd: {  	[sflag:s0] =	ssyncadd.remote.s32 $0x1  }
0xbe: {  	_ =	sfence.sel $0xFFFF  }
0xbf: {  	[dreg:$0x0] =	wrdreg $0xFFFFFFFF;
	(pc) =	sbr.abs _section_cstart, $3  }
0xc0: {  	[dreg:$0x1] =	wrdreg $0xFFFFFFFF  }
0xc1: {  	_ =	task.clear_ibuf [dreg:s6], $0x2FFFF;
	_ =	strace $0x9FFFFFFF  }
0xc2: {  	(tm) =	ssettm $0x7FFFFFFF  }
0xc3: {  	_ =	shalt  }
tec
execute0_lowered:
.L_overlay_start_1:
0x0: {  	(tag) =	ssettag $0x1  }
0x1: {  	s0 =	srdreg.scid;
	s4 =	rddreg [dreg:$0x0]  }
0x2: {  	s2 =	rddreg [dreg:$0x1];
	s3 =	simm.s32 $0x0;
	s1 =	stileid.u32  }
0x3: {  	s15 =	simm.s32 $0x50;
	s16 =	simm.s32 $0x1C000;
	s17 =	simm.s32 $0x1  }
0x4: {  	s5 =	sand.u32 $0x1, s0;
	s0 =	rddreg [dreg:$0x2];
	s8 =	smul.u32 $0x14000, s1  }
0x5: {  	s18 =	simm.s32 $0x0;
	[smem:$0x7FF] =	sst s3;
	s10 =	smul.u32 $0x50000, s1  }
0x6: {  	s9 =	sshll.u32 s1, $0xB;
	s31 =	sshll.u32 s1, $0x6;
	s6 =	smul.u32 $0x140000, s5  }
0x7: {  	_ =	strace $0x80000047;
	s5 =	ssub.s32 $0x2, s5;
	s9 =	sadd.s32 s9, s4  }
0x8: {  	s11 =	sshrl.u32 s5, $0x1;
	s30 =	sshrl.u32 s10, $0x2;
	s13 =	sshrl.u32 s8, $0x3  }
0x9: {  	s10 =	simm.s32 $0x2;
	s7 =	sshrl.u32 s6, $0x3;
	s6 =	sadd.s32 s8, s6  }
0xa: {  	s11 =	ssub.s32 s5, s11;
	s5 =	sadd.s32 $0xA600, s9;
	s14 =	sadd.s32 s30, s2  }
0xb: {  	s7 =	sadd.s32 s7, s4;
	s6 =	sshrl.u32 s6, $0x3;
	s8 =	smax.u32 s11, $0x1  }
0xc: {  	s11 =	simm.s32 $0x18000;
	s14 =	sshrl.u32 s14, $0x3;
	s12 =	sadd.s32 s6, s4  }
0xd: {  	s4 =	sadd.s32 $0x2600, s9;
	s6 =	sadd.s32 $0x12600, s7;
	s9 =	simm.s32 $0x14000  }
0xe: {  	s7 =	sadd.s32 $0x62600, s12;
	s12 =	sadd.s32 s13, s6;
	s13 =	sor.u32 $0x1C02, s31  }
.LBB2_1:
0xf: {  	[tilespmem:s9], [sflag:$0x2] =	stream.linear.gather [hbm4b:s4+s3], $0x4000, $0x38;
	[tilespmem:$0x1E800] =	vst v63  }
0x10: {  	_ =	swait.ge [sflag:s10], $0x4000  }
0x11: {  	[sflag:s10] =	ssyncset.done $0x0  }
0x12: {  	[sflag:s10] =	ssyncadd.s32 $0xFFFFC000  }
0x13: {  	[tilespmem:s11], [sflag:$0x2] =	stream.linear.gather [hbm4b:s5+s3], $0x4000, $0x38;
	[tilespmem:$0x1E800] =	vst v63  }
0x14: {  	_ =	swait.ge [sflag:s10], $0x4000  }
0x15: {  	[sflag:s10] =	ssyncset.done $0x0  }
0x16: {  	[sflag:s10] =	ssyncadd.s32 $0xFFFFC000  }
0x17: {  	[spmem:s14], [sflag:s13] =	dma.local [hbm:s12], $0x2800  }
0x18: {  	_ =	swait.ge [sflag:s10], $0x2800  }
0x19: {  	[sflag:s10] =	ssyncset.done $0x0  }
0x1a: {  	[sflag:s10] =	ssyncadd.s32 $0xFFFFD800  }
0x1b: {  	s19 =	simm.s32 $0x14000;
	[bflag:$0x0] =	sbarrier.arrive $0xFFFF  }
0x1c: {  	[tilespmem:s16], [sflag:$0x1] =	stream.indirect.gather [hbm4b:s6+s15], $0x80, s19, s15, $0xb8;
	[tilespmem:$0x1E800] =	vst v63  }
0x1d: {  	_ =	swait.ge [sflag:s17], $0x2800  }
0x1e: {  	[sflag:s17] =	ssyncset.done $0x0  }
0x1f: {  	s31 =	simm.s32 $0x18000;
	[sflag:s17] =	ssyncadd.s32 $0xFFFFD800  }
0x20: {  	[spmem:s2] =	stream.indirect.scatter.add.f32 [tilespmem:s16], [sflag:$0x2], $0x80, s31, s15, $0xb8;
	[tilespmem:$0x1E800] =	vst v63  }
0x21: {  	_ =	swait.ge [sflag:s10], $0x2800  }
0x22: {  	s20 =	simm.s32 $0x400;
	s19 =	simm.s32 $0x80;
	[sflag:s10] =	ssyncset.done $0x0  }
.LBB2_2:
0x23: {  	s21 =	sadd.s32 $0x14000, s19  }
0x24: {  	[sflag:s10] =	ssyncadd.s32 $0xFFFFD800;
	s22 =	smov.u32 s20;
	s23 =	sadd.s32 $0x200, s20  }
0x25: {  	[tilespmem:s16], [sflag:$0x1] =	stream.indirect.gather [hbm4b:s6+s15], $0x80, s21, s15, $0xb8;
	[tilespmem:$0x1E800] =	vst v63  }
0x26: {  	p0 =	sne.s32 s20, $0xFE00;
	_ =	swait.ge [sflag:s17], $0x2800  }
.Ltmp0:
0x27: {  	[sflag:s17] =	ssyncset.done $0x0;
	(pc) =	sbr.rel @p0 .LBB2_2-.Ltmp0, $4  }
0x28: {  	s19 =	sadd.s32 $0x18000, s19;
	[sflag:s17] =	ssyncadd.s32 $0xFFFFD800  }
0x29: {  	[spmem:s2] =	stream.indirect.scatter.add.f32 [tilespmem:s16], [sflag:$0x2], $0x80, s19, s15, $0xb8;
	[tilespmem:$0x1E800] =	vst v63  }
0x2a: {  	_ =	swait.ge [sflag:s10], $0x2800  }
0x2b: {  	s20 =	smov.u32 s23;
	s19 =	sshra.s32 s22, $0x2;
	[sflag:s10] =	ssyncset.done $0x0  }
0x2c: {  	s20 =	sadd.s32 $0x14000, s19;
	[sflag:s10] =	ssyncadd.s32 $0xFFFFD800  }
0x2d: {  	[tilespmem:s16], [sflag:$0x1] =	stream.indirect.gather [hbm4b:s6+s15], $0x80, s20, s15, $0xb8;
	[tilespmem:$0x1E800] =	vst v63  }
0x2e: {  	_ =	swait.ge [sflag:s17], $0x2800  }
0x2f: {  	[sflag:s17] =	ssyncset.done $0x0  }
0x30: {  	s31 =	sadd.s32 $0x18000, s19;
	[sflag:s17] =	ssyncadd.s32 $0xFFFFD800  }
0x31: {  	[spmem:s2] =	stream.indirect.scatter.add.f32 [tilespmem:s16], [sflag:$0x2], $0x80, s31, s15, $0xb8;
	[tilespmem:$0x1E800] =	vst v63  }
0x32: {  	_ =	swait.ge [sflag:s10], $0x2800  }
0x33: {  	[sflag:s10] =	ssyncset.done $0x0  }
0x34: {  	s18 =	sadd.s32 $0x1, s18;
	[sflag:s10] =	ssyncadd.s32 $0xFFFFD800  }
0x35: {  	p0 =	sne.s32 s18, s8;
	[bflag:$0x0] =	sbarrier.arrive $0xFFFF  }
0x36: {  	[hbm:s7], [sflag:s13] =	dma.local [spmem:s14], $0x2800  }
.Ltmp1:
0x37: {  	_ =	swait.ge [sflag:s10], $0x2800;
	(pc) =	sbr.rel @p0 .LBB2_1-.Ltmp1, $3  }
0x38: {  	[sflag:s10] =	ssyncset.done $0x0  }
0x39: {  	[sflag:s10] =	ssyncadd.s32 $0xFFFFD800  }
0x3a: {  	[bflag:$0x0] =	sbarrier.arrive $0xFFFF;
	_ =	sdelay $0x1  }
0x3b: {  	_ =	sfence.sel $0x180000  }
0x3c: {  	[bflag:$0x0] =	sbarrier.arrive $0xFFFF  }
0x3d: {  	p0 =	sne.s32 s1, $0x0;
	_ =	strace $0x90000047  }
0x3e: {  	s0 =	sadd.s32 @!p0 $0x100000, s0;
	[bflag:$0x2] =	sbarrier.arrive $0xFFFF  }
0x3f: {  	[sflag:s0] =	ssyncadd.tile.s32 @!p0 $0x1;
	_ =	shalt  }
.Lfunc_end2:
_tile_overlayer_lowered:
.L_overlay_start_2:
0x40: {  	(tag) =	ssettag $0x2  }
0x41: {  	s0 =	rddreg [dreg:$0x0];
	s2 =	stileid.u32  }
0x42: {  	s1 =	rddreg [dreg:$0x1];
	p0 =	sne.s32 s2, $0x0  }
0x43: {  	s3 =	rddreg [dreg:$0x2];
	[bflag:$0x3] =	sbarrier.arrive $0xFFFF;
	s2 =	simm.s32 @!p0 $0x1C02  }
0x44: {  	[timem:s3], [sflag:s2] =	dma.local @!p0 [hbm:s0], s1  }
0x45: {  	s0 =	simm.s32 @!p0 $0x2  }
0x46: {  	_ =	swait.ge @!p0 [sflag:s0], s1  }
0x47: {  	s1 =	ssub.s32 @!p0 $0x0, s1;
	[sflag:s0] =	ssyncset.done @!p0 $0x0  }
0x48: {  	[sflag:s0] =	ssyncadd.s32 @!p0 s1  }
0x49: {  	[bflag:$0x3] =	sbarrier.arrive $0xFFFF  }
0x4a: {  	_ =	shalt  }

// kernel: kernel.14.cloned.1.call-start
scs
__scs_entry_jumppad:
0x0: {  	(pc) =	sbr.rel $0x88, $3  }
0x1: {  	(tag) =	ssettag $0x0;
	lr =	simm.s32 $0x1  }
0x2: {  	[smem:$0x3F97] =	sst lr;
	_ =	strace $0xD0000000  }
0x3: {  	_ = 	snop  }
0x4: {  	_ = 	snop  }
0x5: {  	_ = 	snop  }
0x6: {  	_ = 	snop  }
0x7: {  	_ = 	snop  }
__scs_overlays_trampoline_lowered:
0x8: {  	[smem:$0x3FA6] =	sst s0  }
0x9: {  	[smem:$0x3FA7] =	sst s1  }
0xa: {  	[smem:$0x3FA8] =	sst s2  }
0xb: {  	[smem:$0x3FA9] =	sst s3  }
0xc: {  	[smem:$0x3FAA] =	sst s4  }
0xd: {  	[smem:$0x3FAB] =	sst s5  }
0xe: {  	[smem:$0x3FAC] =	sst s6  }
0xf: {  	[smem:$0x3FAD] =	sst s7  }
0x10: {  	[smem:$0x3FAE] =	sst s8  }
0x11: {  	[smem:$0x3FAF] =	sst s9;
	s0 =	simm.s32 @!p0 $0x0  }
0x12: {  	s1 =	sld [smem:$0x3F95];
	s0 =	simm.s32 @p0 $0x1  }
0x13: {  	[smem:$0x3FB0] =	sst s0;
	s0 =	simm.s32 @!p1 $0x0  }
0x14: {  	s2 =	sld [smem:$0x3F94];
	s0 =	simm.s32 @p1 $0x1  }
0x15: {  	[smem:$0x3FB1] =	sst s0;
	s0 =	simm.s32 @!p2 $0x0  }
0x16: {  	s3 =	sld [smem:$0x3FDB];
	s0 =	simm.s32 @p2 $0x1  }
0x17: {  	s4 =	simm.s32 $0x1BF5;
	[smem:$0x3FB3] =	sst s0  }
0x18: {  	s0 =	sld [smem:$0x3F96];
	_ =	swait.ge [sflag:s4], $0x0  }
0x19: {  	s7 =	sld [smem:$0x3F97]  }
0x1a: {  	s8 =	sadd.s32 $0xFFFFE003, lr  }
0x1b: {  	s9 =	sadd.s32 $0xFFFFFEF7, lr;
	s5 =	simm.s32 $0xFFFFFFFF;
	p2 =	slt.u32 s8, $0xFFFFF086  }
0x1c: {  	p1 =	slt.u32 s9, $0xF7A;
	s5 =	simm.s32 @!p2 $0x0  }
0x1d: {  	s5 =	simm.s32 @p1 $0x1;
	p0 =	seq.s32 s7, s2  }
0x1e: {  	s7 =	smul.u32 @!p0 $0xF7A, s2;
	p2 =	seq.s32 @!p0 s5, $0x0  }
0x1f: {  	s9 =	smul.u32 $0xF7A, s1;
	s8 =	simm.s32 @!p0 $0x1BF5;
	p2 =	por !p2, p0  }
0x20: {  	[sflag:s8] =	ssyncset.s32 @!p0 $0xFFFFF086;
	s6 =	sadd.s32 @!p0 s3, s7;
	s7 =	simm.s32 @!p0 $0x108  }
0x21: {  	s3 =	sadd.s32 s3, s9;
	s6 =	sadd.s32 @!p0 $0x88, s6;
	s7 =	simm.s32 @p2 $0x1082  }
0x22: {  	[simem:s7], [sflag:s8] =	dma.local @!p0 [hbm:s6], $0xF7A  }
0x23: {  	s9 =	sor.u32 $0xD0000000, s2;
	s6 =	simm.s32 $0x108;
	_ =	swait.ge @!p0 [sflag:s8], $0x0  }
0x24: {  	s3 =	sadd.s32 $0x88, s3;
	s6 =	simm.s32 @!p1 $0x1082;
	[sflag:s4] =	ssyncset.s32 $0xFFFFF086  }
0x25: {  	[simem:s6], [sflag:s4] =	dma.local [hbm:s3], $0xF7A  }
0x26: {  	[smem:$0x3F97] =	sst s1;
	(tag) =	ssettag s2;
	_ =	strace s9  }
0x27: {  	s1 =	sld [smem:$0x3FA7]  }
0x28: {  	s2 =	sld [smem:$0x3FA8]  }
0x29: {  	s4 =	sld [smem:$0x3FAA]  }
0x2a: {  	p0 =	seq.s32 s5, $0x0;
	s5 =	sld [smem:$0x3FAB]  }
0x2b: {  	s6 =	sld [smem:$0x3FAC]  }
0x2c: {  	s7 =	sld [smem:$0x3FAD]  }
0x2d: {  	s3 =	simm.s32 $0x108;
	s8 =	sld [smem:$0x3FAE]  }
0x2e: {  	s3 =	simm.s32 @!p0 $0x1082;
	s9 =	sld [smem:$0x3FAF]  }
0x2f: {  	lr =	sadd.s32 s0, s3;
	s0 =	sld [smem:$0x3FA6]  }
0x30: {  	s3 =	sld [smem:$0x3FA9]  }
0x31: {  	[smem:$0x3FB2] =	sst s10  }
0x32: {  	s10 =	sld [smem:$0x3FB0];
	_ =	sdelay $0x3  }
0x33: {  	p0 =	seq.s32 s10, $0x1;
	s10 =	sld [smem:$0x3FB2];
	_ =	sdelay $0x3  }
0x34: {  	[smem:$0x3FB2] =	sst s10  }
0x35: {  	s10 =	sld [smem:$0x3FB1];
	_ =	sdelay $0x3  }
0x36: {  	p1 =	seq.s32 s10, $0x1;
	s10 =	sld [smem:$0x3FB2];
	_ =	sdelay $0x3  }
0x37: {  	[smem:$0x3FB2] =	sst s10  }
0x38: {  	s10 =	sld [smem:$0x3FB3]  }
0x39: {  	_ = 	snop;
	(pc) =	sbr.ind lr, $3  }
0x3a: {  	_ = 	snop  }
0x3b: {  	_ = 	snop  }
0x3c: {  	p2 =	seq.s32 s10, $0x1;
	s10 =	sld [smem:$0x3FB2]  }
0x3d: {  	_ =	shalt  }
0x3e: {  	_ =	shalt  }
0x3f: {  	_ =	shalt  }
0x40: {  	_ =	shalt  }
0x41: {  	_ =	shalt  }
0x42: {  	_ =	shalt  }
0x43: {  	_ =	shalt  }
0x44: {  	_ =	shalt  }
0x45: {  	_ =	shalt  }
0x46: {  	_ =	shalt  }
0x47: {  	_ =	shalt  }
0x48: {  	_ =	shalt  }
0x49: {  	_ =	shalt  }
0x4a: {  	_ =	shalt  }
0x4b: {  	_ =	shalt  }
0x4c: {  	_ =	shalt  }
0x4d: {  	_ =	shalt  }
0x4e: {  	_ =	shalt  }
0x4f: {  	_ =	shalt  }
0x50: {  	_ =	shalt  }
0x51: {  	_ =	shalt  }
0x52: {  	_ =	shalt  }
0x53: {  	_ =	shalt  }
0x54: {  	_ =	shalt  }
0x55: {  	_ =	shalt  }
0x56: {  	_ =	shalt  }
0x57: {  	_ =	shalt  }
0x58: {  	_ =	shalt  }
0x59: {  	_ =	shalt  }
0x5a: {  	_ =	shalt  }
0x5b: {  	_ =	shalt  }
0x5c: {  	_ =	shalt  }
0x5d: {  	_ =	shalt  }
0x5e: {  	_ =	shalt  }
0x5f: {  	_ =	shalt  }
0x60: {  	_ =	shalt  }
0x61: {  	_ =	shalt  }
0x62: {  	_ =	shalt  }
0x63: {  	_ =	shalt  }
0x64: {  	_ =	shalt  }
0x65: {  	_ =	shalt  }
0x66: {  	_ =	shalt  }
0x67: {  	_ =	shalt  }
0x68: {  	_ =	shalt  }
0x69: {  	_ =	shalt  }
0x6a: {  	_ =	shalt  }
0x6b: {  	_ =	shalt  }
0x6c: {  	_ =	shalt  }
0x6d: {  	_ =	shalt  }
0x6e: {  	_ =	shalt  }
0x6f: {  	_ =	shalt  }
0x70: {  	_ =	shalt  }
0x71: {  	_ =	shalt  }
0x72: {  	_ =	shalt  }
0x73: {  	_ =	shalt  }
0x74: {  	_ =	shalt  }
0x75: {  	_ =	shalt  }
0x76: {  	_ =	shalt  }
0x77: {  	_ =	shalt  }
0x78: {  	_ =	shalt  }
0x79: {  	_ =	shalt  }
0x7a: {  	_ =	shalt  }
0x7b: {  	_ =	shalt  }
0x7c: {  	_ =	shalt  }
0x7d: {  	_ =	shalt  }
0x7e: {  	_ =	shalt  }
0x7f: {  	_ =	shalt  }
0x80: {  	_ =	shalt  }
0x81: {  	_ =	shalt  }
0x82: {  	_ =	shalt  }
0x83: {  	_ =	shalt  }
0x84: {  	_ =	shalt  }
0x85: {  	_ =	shalt  }
0x86: {  	_ =	shalt  }
0x87: {  	_ =	shalt  }
.Lfunc_end0:
.L_simem_size_0:
called_computation.1_lowered:
.L_overlay_start_0:
0x88: {  	s2 =	sld [smem:$0x3FD9]  }
0x89: {  	s3 =	sld [smem:$0x3FFE];
	_ =	sdelay $0x1  }
0x8a: {  	s1 =	srdreg.scid  }
0x8b: {  	s0 =	sand.u32 $0x1, s1  }
0x8c: {  	s16 =	sshll.u32 s0, $0xA;
	s2 =	sadd.s32 s3, s2  }
0x8d: {  	s2 =	sadd.s32 s2, s16  }
0x8e: {  	[smem:$0x3FBE] =	sst s2  }
0x8f: {  	_ = 	snop  }
0x90: {  	(tm) =	ssettm $0x1  }
0x91: {  	s17 =	sld [smem:$0x3FFB];
	_ =	sdelay $0x3  }
0x92: {  	_ =	strace s17  }
0x93: {  	s2 =	sld [smem:$0x3FFC];
	_ =	sdelay $0x3  }
0x94: {  	_ =	strace s2  }
0x95: {  	s2 =	sld [smem:$0x3FFD];
	_ =	sdelay $0x3  }
0x96: {  	_ =	strace s2  }
0x97: {  	_ =	strace $0x8FFFFFFF  }
0x98: {  	s18 =	sld [smem:$0x3FDB];
	_ =	sdelay $0x1  }
0x99: {  	s19 =	simm.s32 $_scs_section_size  }
0x9a: {  	s4 =	simm.s32 $_size__tile_overlayer_lowered;
	s5 =	simm.s32 $_tile_overlayer_lowered  }
0x9b: {  	s22 =	simm.s32 $0x1BFF;
	s21 =	sshll.u32 s5, $0x1;
	s2 =	sadd.s32 s19, s18  }
0x9c: {  	s6 =	simm.s32 $0x0;
	s20 =	sshll.u32 s4, $0x1;
	s4 =	sadd.s32 s21, s2  }
0x9d: {  	[timem:s6], [sflag:s22] =	dma.local [hbm:s4], s20  }
0x9e: {  	_ =	swait.ge [sflag:s22], s20  }
0x9f: {  	s3 =	ssub.s32 $0x0, s20;
	[sflag:s22] =	ssyncset.done $0x0  }
0xa0: {  	[sflag:s22] =	ssyncadd.s32 s3;
	_ =	sdelay $0x1  }
0xa1: {  	s23 =	simm.s32 $0x1B8B  }
0xa2: {  	_ =	swait.ge [sflag:s23], $0x1  }
0xa3: {  	[sflag:s23] =	ssyncset.done $0x0  }
0xa4: {  	s25 =	simm.s32 $0x1B8E;
	s24 =	sld [smem:$0x3FFE];
	[sflag:s23] =	ssyncadd.s32 $0xFFFFFFFF  }
0xa5: {  	s26 =	simm.s32 $execute0_lowered;
	[smem:$0x3FD2] =	sst s25  }
0xa6: {  	s4 =	sshll.u32 s26, $0x1;
	_ =	strace $0x80000049;
	[dreg:$0x1] =	wrdreg $0xFFFFFFFF  }
0xa7: {  	s28 =	simm.s32 $_size_execute0_lowered;
	s2 =	sadd.s32 s2, s4;
	[dreg:$0x0] =	wrdreg $0x0  }
0xa8: {  	s4 =	sshll.u32 s28, $0x1;
	[dreg:$0x2] =	wrdreg s2  }
0xa9: {  	[dreg:$0x3] =	wrdreg s4  }
0xaa: {  	[dreg:$0x4] =	wrdreg $0xC0  }
0xab: {  	_ =	task [dreg:s6], $0x5FFFF  }
0xac: {  	[dreg:$0x1] =	wrdreg $0xFFFFFFFF  }
0xad: {  	[dreg:$0x0] =	wrdreg $0x60  }
0xae: {  	[dreg:$0x2] =	wrdreg s24  }
0xaf: {  	[dreg:$0x3] =	wrdreg $0x0  }
0xb0: {  	[dreg:$0x4] =	wrdreg $0x9  }
0xb1: {  	_ =	task.clear_ibuf [dreg:s6], $0x5FFFF;
	_ =	strace $0x90000049  }
0xb2: {  	s29 =	simm.s32 $0x9;
	_ =	strace $0x8000004B  }
0xb3: {  	_ =	swait.ge [sflag:s29], $0x1  }
0xb4: {  	[sflag:s29] =	ssyncadd.s32 $0xFFFFFFFF  }
0xb5: {  	_ =	strace $0x9000004B  }
0xb6: {  	_ =	sfence  }
0xb7: {  	s30 =	sld [smem:$0x0];
	_ =	sdelay $0x2  }
0xb8: {  	s31 =	sshll.u32 s1, $0xD;
	s1 =	sshrl.u32 s1, $0x2  }
0xb9: {  	s3 =	sand.u32 $0x4000, s31;
	s1 =	sadd.s32 s1, s30  }
0xba: {  	s0 =	sor.u32 s3, s0;
	s1 =	sshll.u32 s1, $0x11  }
0xbb: {  	s0 =	sor.u32 s1, s0  }
0xbc: {  	s0 =	sadd.s32 $0x8F2B, s0  }
0xbd: {  	[sflag:s0] =	ssyncadd.remote.s32 $0x1  }
0xbe: {  	_ =	sfence.sel $0xFFFF  }
0xbf: {  	[dreg:$0x0] =	wrdreg $0xFFFFFFFF;
	(pc) =	sbr.abs _section_cstart, $3  }
0xc0: {  	[dreg:$0x1] =	wrdreg $0xFFFFFFFF  }
0xc1: {  	_ =	task.clear_ibuf [dreg:s6], $0x2FFFF;
	_ =	strace $0x9FFFFFFF  }
0xc2: {  	(tm) =	ssettm $0x7FFFFFFF  }
0xc3: {  	_ =	shalt  }
tec
execute0_lowered:
.L_overlay_start_1:
0x0: {  	(tag) =	ssettag $0x1  }
0x1: {  	s4 =	rddreg [dreg:$0x0]  }
0x2: {  	s1 =	rddreg [dreg:$0x1]  }
0x3: {  	s0 =	rddreg [dreg:$0x2];
	s3 =	simm.s32 $0x0;
	s2 =	stileid.u32  }
0x4: {  	s5 =	srdreg.scid;
	s18 =	simm.s32 $0x50;
	s19 =	simm.s32 $0x1C000  }
0x5: {  	s20 =	simm.s32 $0x1;
	s21 =	simm.s32 $0x0;
	[smem:$0x7FF] =	sst s3  }
0x6: {  	s9 =	sadd.s32 $0x12600, s4;
	s6 =	sshll.u32 s2, $0xB;
	s8 =	smul.u32 $0x50000, s2  }
0x7: {  	s5 =	sand.u32 $0x1, s5;
	s10 =	sadd.s32 $0xB2600, s4;
	s31 =	smul.u32 $0x14000, s2  }
0x8: {  	s16 =	sshll.u32 s2, $0x6;
	_ =	strace $0x8000004A;
	s6 =	sadd.s32 s6, s4  }
0x9: {  	s7 =	ssub.s32 $0x2, s5;
	s11 =	smul.u32 $0x280000, s5;
	s16 =	sor.u32 $0x1C02, s16  }
0xa: {  	s28 =	sshrl.u32 s7, $0x1;
	s4 =	sadd.s32 $0x2600, s6;
	s5 =	sadd.s32 $0xA600, s6  }
0xb: {  	s29 =	sshrl.u32 s8, $0x2;
	s12 =	ssub.s32 s7, s28;
	s30 =	sshrl.u32 s11, $0x3  }
0xc: {  	s17 =	sadd.s32 s29, s1;
	s13 =	sadd.s32 $0x140000, s11;
	s7 =	sshrl.u32 s31, $0x3  }
0xd: {  	s11 =	sadd.s32 s31, s11;
	s6 =	sadd.s32 s9, s30;
	s8 =	sadd.s32 s31, s13  }
0xe: {  	s11 =	sshrl.u32 s11, $0x3;
	s13 =	sshrl.u32 s13, $0x3;
	s17 =	sshrl.u32 s17, $0x3  }
0xf: {  	s14 =	sshrl.u32 s8, $0x3;
	s8 =	sadd.s32 s10, s11;
	s9 =	sadd.s32 s9, s13  }
0x10: {  	s11 =	smax.u32 s12, $0x1;
	s12 =	simm.s32 $0x14000;
	s13 =	simm.s32 $0x2  }
0x11: {  	s15 =	sadd.s32 s7, s6;
	s10 =	sadd.s32 s10, s14;
	s14 =	simm.s32 $0x18000  }
.LBB2_1:
0x12: {  	[tilespmem:s12], [sflag:$0x2] =	stream.linear.gather [hbm4b:s4+s3], $0x4000, $0x38;
	[tilespmem:$0x1E800] =	vst v63  }
0x13: {  	_ =	swait.ge [sflag:s13], $0x4000  }
0x14: {  	[sflag:s13] =	ssyncset.done $0x0  }
0x15: {  	[sflag:s13] =	ssyncadd.s32 $0xFFFFC000  }
0x16: {  	[tilespmem:s14], [sflag:$0x2] =	stream.linear.gather [hbm4b:s5+s3], $0x4000, $0x38;
	[tilespmem:$0x1E800] =	vst v63  }
0x17: {  	_ =	swait.ge [sflag:s13], $0x4000  }
0x18: {  	[sflag:s13] =	ssyncset.done $0x0  }
0x19: {  	[sflag:s13] =	ssyncadd.s32 $0xFFFFC000  }
0x1a: {  	[spmem:s17], [sflag:s16] =	dma.local [hbm:s15], $0x2800  }
0x1b: {  	_ =	swait.ge [sflag:s13], $0x2800  }
0x1c: {  	[sflag:s13] =	ssyncset.done $0x0  }
0x1d: {  	[sflag:s13] =	ssyncadd.s32 $0xFFFFD800  }
0x1e: {  	s22 =	simm.s32 $0x14000;
	[bflag:$0x0] =	sbarrier.arrive $0xFFFF  }
0x1f: {  	[tilespmem:s19], [sflag:$0x1] =	stream.indirect.gather [hbm4b:s6+s18], $0x80, s22, s18, $0xb8;
	[tilespmem:$0x1E800] =	vst v63  }
0x20: {  	_ =	swait.ge [sflag:s20], $0x2800  }
0x21: {  	[sflag:s20] =	ssyncset.done $0x0  }
0x22: {  	s31 =	simm.s32 $0x18000;
	[sflag:s20] =	ssyncadd.s32 $0xFFFFD800  }
0x23: {  	[spmem:s1] =	stream.indirect.scatter.add.f32 [tilespmem:s19], [sflag:$0x2], $0x80, s31, s18, $0xb8;
	[tilespmem:$0x1E800] =	vst v63  }
0x24: {  	_ =	swait.ge [sflag:s13], $0x2800  }
0x25: {  	s23 =	simm.s32 $0x400;
	s22 =	simm.s32 $0x80;
	[sflag:s13] =	ssyncset.done $0x0  }
.LBB2_2:
0x26: {  	s24 =	sadd.s32 $0x14000, s22  }
0x27: {  	[sflag:s13] =	ssyncadd.s32 $0xFFFFD800;
	s25 =	smov.u32 s23;
	s26 =	sadd.s32 $0x200, s23  }
0x28: {  	[tilespmem:s19], [sflag:$0x1] =	stream.indirect.gather [hbm4b:s6+s18], $0x80, s24, s18, $0xb8;
	[tilespmem:$0x1E800] =	vst v63  }
0x29: {  	p0 =	sne.s32 s23, $0xFE00;
	_ =	swait.ge [sflag:s20], $0x2800  }
.Ltmp0:
0x2a: {  	[sflag:s20] =	ssyncset.done $0x0;
	(pc) =	sbr.rel @p0 .LBB2_2-.Ltmp0, $4  }
0x2b: {  	s22 =	sadd.s32 $0x18000, s22;
	[sflag:s20] =	ssyncadd.s32 $0xFFFFD800  }
0x2c: {  	[spmem:s1] =	stream.indirect.scatter.add.f32 [tilespmem:s19], [sflag:$0x2], $0x80, s22, s18, $0xb8;
	[tilespmem:$0x1E800] =	vst v63  }
0x2d: {  	_ =	swait.ge [sflag:s13], $0x2800  }
0x2e: {  	s23 =	smov.u32 s26;
	s22 =	sshra.s32 s25, $0x2;
	[sflag:s13] =	ssyncset.done $0x0  }
0x2f: {  	s23 =	sadd.s32 $0x14000, s22;
	[sflag:s13] =	ssyncadd.s32 $0xFFFFD800  }
0x30: {  	[tilespmem:s19], [sflag:$0x1] =	stream.indirect.gather [hbm4b:s6+s18], $0x80, s23, s18, $0xb8;
	[tilespmem:$0x1E800] =	vst v63  }
0x31: {  	_ =	swait.ge [sflag:s20], $0x2800  }
0x32: {  	[sflag:s20] =	ssyncset.done $0x0  }
0x33: {  	s28 =	sadd.s32 $0x18000, s22;
	[sflag:s20] =	ssyncadd.s32 $0xFFFFD800  }
0x34: {  	[spmem:s1] =	stream.indirect.scatter.add.f32 [tilespmem:s19], [sflag:$0x2], $0x80, s28, s18, $0xb8;
	[tilespmem:$0x1E800] =	vst v63  }
0x35: {  	_ =	swait.ge [sflag:s13], $0x2800  }
0x36: {  	[sflag:s13] =	ssyncset.done $0x0  }
0x37: {  	[sflag:s13] =	ssyncadd.s32 $0xFFFFD800  }
0x38: {  	[bflag:$0x0] =	sbarrier.arrive $0xFFFF  }
0x39: {  	[hbm:s8], [sflag:s16] =	dma.local [spmem:s17], $0x2800  }
0x3a: {  	_ =	swait.ge [sflag:s13], $0x2800  }
0x3b: {  	[sflag:s13] =	ssyncset.done $0x0  }
0x3c: {  	[sflag:s13] =	ssyncadd.s32 $0xFFFFD800  }
0x3d: {  	s29 =	sadd.s32 s7, s9;
	[bflag:$0x0] =	sbarrier.arrive $0xFFFF  }
0x3e: {  	[spmem:s17], [sflag:s16] =	dma.local [hbm:s29], $0x2800  }
0x3f: {  	_ =	swait.ge [sflag:s13], $0x2800  }
0x40: {  	[sflag:s13] =	ssyncset.done $0x0  }
0x41: {  	[sflag:s13] =	ssyncadd.s32 $0xFFFFD800  }
0x42: {  	s30 =	simm.s32 $0x14000;
	[bflag:$0x0] =	sbarrier.arrive $0xFFFF  }
0x43: {  	[tilespmem:s19], [sflag:$0x1] =	stream.indirect.gather [hbm4b:s9+s18], $0x80, s30, s18, $0xb8;
	[tilespmem:$0x1E800] =	vst v63  }
0x44: {  	_ =	swait.ge [sflag:s20], $0x2800  }
0x45: {  	[sflag:s20] =	ssyncset.done $0x0  }
0x46: {  	s31 =	simm.s32 $0x18000;
	[sflag:s20] =	ssyncadd.s32 $0xFFFFD800  }
0x47: {  	[spmem:s1] =	stream.indirect.scatter.add.f32 [tilespmem:s19], [sflag:$0x2], $0x80, s31, s18, $0xb8;
	[tilespmem:$0x1E800] =	vst v63  }
0x48: {  	_ =	swait.ge [sflag:s13], $0x2800  }
0x49: {  	s22 =	simm.s32 $0x80;
	s23 =	simm.s32 $0x400;
	[sflag:s13] =	ssyncset.done $0x0  }
.LBB2_4:
0x4a: {  	s24 =	sadd.s32 $0x14000, s22  }
0x4b: {  	[sflag:s13] =	ssyncadd.s32 $0xFFFFD800;
	s25 =	smov.u32 s23;
	s26 =	sadd.s32 $0x200, s23  }
0x4c: {  	[tilespmem:s19], [sflag:$0x1] =	stream.indirect.gather [hbm4b:s9+s18], $0x80, s24, s18, $0xb8;
	[tilespmem:$0x1E800] =	vst v63  }
0x4d: {  	p0 =	sne.s32 s23, $0xFE00;
	_ =	swait.ge [sflag:s20], $0x2800  }
.Ltmp1:
0x4e: {  	[sflag:s20] =	ssyncset.done $0x0;
	(pc) =	sbr.rel @p0 .LBB2_4-.Ltmp1, $4  }
0x4f: {  	s22 =	sadd.s32 $0x18000, s22;
	[sflag:s20] =	ssyncadd.s32 $0xFFFFD800  }
0x50: {  	[spmem:s1] =	stream.indirect.scatter.add.f32 [tilespmem:s19], [sflag:$0x2], $0x80, s22, s18, $0xb8;
	[tilespmem:$0x1E800] =	vst v63  }
0x51: {  	_ =	swait.ge [sflag:s13], $0x2800  }
0x52: {  	s23 =	smov.u32 s26;
	s22 =	sshra.s32 s25, $0x2;
	[sflag:s13] =	ssyncset.done $0x0  }
0x53: {  	s23 =	sadd.s32 $0x14000, s22;
	[sflag:s13] =	ssyncadd.s32 $0xFFFFD800  }
0x54: {  	[tilespmem:s19], [sflag:$0x1] =	stream.indirect.gather [hbm4b:s9+s18], $0x80, s23, s18, $0xb8;
	[tilespmem:$0x1E800] =	vst v63  }
0x55: {  	_ =	swait.ge [sflag:s20], $0x2800  }
0x56: {  	[sflag:s20] =	ssyncset.done $0x0  }
0x57: {  	s31 =	sadd.s32 $0x18000, s22;
	[sflag:s20] =	ssyncadd.s32 $0xFFFFD800  }
0x58: {  	[spmem:s1] =	stream.indirect.scatter.add.f32 [tilespmem:s19], [sflag:$0x2], $0x80, s31, s18, $0xb8;
	[tilespmem:$0x1E800] =	vst v63  }
0x59: {  	_ =	swait.ge [sflag:s13], $0x2800  }
0x5a: {  	[sflag:s13] =	ssyncset.done $0x0  }
0x5b: {  	s21 =	sadd.s32 $0x1, s21;
	[sflag:s13] =	ssyncadd.s32 $0xFFFFD800  }
0x5c: {  	p0 =	sne.s32 s21, s11;
	[bflag:$0x0] =	sbarrier.arrive $0xFFFF  }
0x5d: {  	[hbm:s10], [sflag:s16] =	dma.local [spmem:s17], $0x2800  }
.Ltmp2:
0x5e: {  	_ =	swait.ge [sflag:s13], $0x2800;
	(pc) =	sbr.rel @p0 .LBB2_1-.Ltmp2, $3  }
0x5f: {  	[sflag:s13] =	ssyncset.done $0x0  }
0x60: {  	[sflag:s13] =	ssyncadd.s32 $0xFFFFD800  }
0x61: {  	[bflag:$0x0] =	sbarrier.arrive $0xFFFF;
	_ =	sdelay $0x1  }
0x62: {  	_ =	sfence.sel $0x180000  }
0x63: {  	[bflag:$0x0] =	sbarrier.arrive $0xFFFF  }
0x64: {  	p0 =	sne.s32 s2, $0x0;
	_ =	strace $0x9000004A  }
0x65: {  	s0 =	sadd.s32 @!p0 $0x100000, s0;
	[bflag:$0x2] =	sbarrier.arrive $0xFFFF  }
0x66: {  	[sflag:s0] =	ssyncadd.tile.s32 @!p0 $0x1;
	_ =	shalt  }
.Lfunc_end2:
_tile_overlayer_lowered:
.L_overlay_start_2:
0x67: {  	(tag) =	ssettag $0x2  }
0x68: {  	s0 =	rddreg [dreg:$0x0];
	s2 =	stileid.u32  }
0x69: {  	s1 =	rddreg [dreg:$0x1];
	p0 =	sne.s32 s2, $0x0  }
0x6a: {  	s3 =	rddreg [dreg:$0x2];
	[bflag:$0x3] =	sbarrier.arrive $0xFFFF;
	s2 =	simm.s32 @!p0 $0x1C02  }
0x6b: {  	[timem:s3], [sflag:s2] =	dma.local @!p0 [hbm:s0], s1  }
0x6c: {  	s0 =	simm.s32 @!p0 $0x2  }
0x6d: {  	_ =	swait.ge @!p0 [sflag:s0], s1  }
0x6e: {  	s1 =	ssub.s32 @!p0 $0x0, s1;
	[sflag:s0] =	ssyncset.done @!p0 $0x0  }
0x6f: {  	[sflag:s0] =	ssyncadd.s32 @!p0 s1  }
0x70: {  	[bflag:$0x3] =	sbarrier.arrive $0xFFFF  }
0x71: {  	_ =	shalt  }

// kernel: kernel.17.cloned.1.call-start
scs
__scs_entry_jumppad:
0x0: {  	(pc) =	sbr.rel $0x88, $3  }
0x1: {  	(tag) =	ssettag $0x0;
	lr =	simm.s32 $0x1  }
0x2: {  	[smem:$0x3F97] =	sst lr;
	_ =	strace $0xD0000000  }
0x3: {  	_ = 	snop  }
0x4: {  	_ = 	snop  }
0x5: {  	_ = 	snop  }
0x6: {  	_ = 	snop  }
0x7: {  	_ = 	snop  }
__scs_overlays_trampoline_lowered:
0x8: {  	[smem:$0x3FA6] =	sst s0  }
0x9: {  	[smem:$0x3FA7] =	sst s1  }
0xa: {  	[smem:$0x3FA8] =	sst s2  }
0xb: {  	[smem:$0x3FA9] =	sst s3  }
0xc: {  	[smem:$0x3FAA] =	sst s4  }
0xd: {  	[smem:$0x3FAB] =	sst s5  }
0xe: {  	[smem:$0x3FAC] =	sst s6  }
0xf: {  	[smem:$0x3FAD] =	sst s7  }
0x10: {  	[smem:$0x3FAE] =	sst s8  }
0x11: {  	[smem:$0x3FAF] =	sst s9;
	s0 =	simm.s32 @!p0 $0x0  }
0x12: {  	s1 =	sld [smem:$0x3F95];
	s0 =	simm.s32 @p0 $0x1  }
0x13: {  	[smem:$0x3FB0] =	sst s0;
	s0 =	simm.s32 @!p1 $0x0  }
0x14: {  	s2 =	sld [smem:$0x3F94];
	s0 =	simm.s32 @p1 $0x1  }
0x15: {  	[smem:$0x3FB1] =	sst s0;
	s0 =	simm.s32 @!p2 $0x0  }
0x16: {  	s3 =	sld [smem:$0x3FDB];
	s0 =	simm.s32 @p2 $0x1  }
0x17: {  	s4 =	simm.s32 $0x1BF5;
	[smem:$0x3FB3] =	sst s0  }
0x18: {  	s0 =	sld [smem:$0x3F96];
	_ =	swait.ge [sflag:s4], $0x0  }
0x19: {  	s7 =	sld [smem:$0x3F97]  }
0x1a: {  	s8 =	sadd.s32 $0xFFFFE003, lr  }
0x1b: {  	s9 =	sadd.s32 $0xFFFFFEF7, lr;
	s5 =	simm.s32 $0xFFFFFFFF;
	p2 =	slt.u32 s8, $0xFFFFF086  }
0x1c: {  	p1 =	slt.u32 s9, $0xF7A;
	s5 =	simm.s32 @!p2 $0x0  }
0x1d: {  	s5 =	simm.s32 @p1 $0x1;
	p0 =	seq.s32 s7, s2  }
0x1e: {  	s7 =	smul.u32 @!p0 $0xF7A, s2;
	p2 =	seq.s32 @!p0 s5, $0x0  }
0x1f: {  	s9 =	smul.u32 $0xF7A, s1;
	s8 =	simm.s32 @!p0 $0x1BF5;
	p2 =	por !p2, p0  }
0x20: {  	[sflag:s8] =	ssyncset.s32 @!p0 $0xFFFFF086;
	s6 =	sadd.s32 @!p0 s3, s7;
	s7 =	simm.s32 @!p0 $0x108  }
0x21: {  	s3 =	sadd.s32 s3, s9;
	s6 =	sadd.s32 @!p0 $0x88, s6;
	s7 =	simm.s32 @p2 $0x1082  }
0x22: {  	[simem:s7], [sflag:s8] =	dma.local @!p0 [hbm:s6], $0xF7A  }
0x23: {  	s9 =	sor.u32 $0xD0000000, s2;
	s6 =	simm.s32 $0x108;
	_ =	swait.ge @!p0 [sflag:s8], $0x0  }
0x24: {  	s3 =	sadd.s32 $0x88, s3;
	s6 =	simm.s32 @!p1 $0x1082;
	[sflag:s4] =	ssyncset.s32 $0xFFFFF086  }
0x25: {  	[simem:s6], [sflag:s4] =	dma.local [hbm:s3], $0xF7A  }
0x26: {  	[smem:$0x3F97] =	sst s1;
	(tag) =	ssettag s2;
	_ =	strace s9  }
0x27: {  	s1 =	sld [smem:$0x3FA7]  }
0x28: {  	s2 =	sld [smem:$0x3FA8]  }
0x29: {  	s4 =	sld [smem:$0x3FAA]  }
0x2a: {  	p0 =	seq.s32 s5, $0x0;
	s5 =	sld [smem:$0x3FAB]  }
0x2b: {  	s6 =	sld [smem:$0x3FAC]  }
0x2c: {  	s7 =	sld [smem:$0x3FAD]  }
0x2d: {  	s3 =	simm.s32 $0x108;
	s8 =	sld [smem:$0x3FAE]  }
0x2e: {  	s3 =	simm.s32 @!p0 $0x1082;
	s9 =	sld [smem:$0x3FAF]  }
0x2f: {  	lr =	sadd.s32 s0, s3;
	s0 =	sld [smem:$0x3FA6]  }
0x30: {  	s3 =	sld [smem:$0x3FA9]  }
0x31: {  	[smem:$0x3FB2] =	sst s10  }
0x32: {  	s10 =	sld [smem:$0x3FB0];
	_ =	sdelay $0x3  }
0x33: {  	p0 =	seq.s32 s10, $0x1;
	s10 =	sld [smem:$0x3FB2];
	_ =	sdelay $0x3  }
0x34: {  	[smem:$0x3FB2] =	sst s10  }
0x35: {  	s10 =	sld [smem:$0x3FB1];
	_ =	sdelay $0x3  }
0x36: {  	p1 =	seq.s32 s10, $0x1;
	s10 =	sld [smem:$0x3FB2];
	_ =	sdelay $0x3  }
0x37: {  	[smem:$0x3FB2] =	sst s10  }
0x38: {  	s10 =	sld [smem:$0x3FB3]  }
0x39: {  	_ = 	snop;
	(pc) =	sbr.ind lr, $3  }
0x3a: {  	_ = 	snop  }
0x3b: {  	_ = 	snop  }
0x3c: {  	p2 =	seq.s32 s10, $0x1;
	s10 =	sld [smem:$0x3FB2]  }
0x3d: {  	_ =	shalt  }
0x3e: {  	_ =	shalt  }
0x3f: {  	_ =	shalt  }
0x40: {  	_ =	shalt  }
0x41: {  	_ =	shalt  }
0x42: {  	_ =	shalt  }
0x43: {  	_ =	shalt  }
0x44: {  	_ =	shalt  }
0x45: {  	_ =	shalt  }
0x46: {  	_ =	shalt  }
0x47: {  	_ =	shalt  }
0x48: {  	_ =	shalt  }
0x49: {  	_ =	shalt  }
0x4a: {  	_ =	shalt  }
0x4b: {  	_ =	shalt  }
0x4c: {  	_ =	shalt  }
0x4d: {  	_ =	shalt  }
0x4e: {  	_ =	shalt  }
0x4f: {  	_ =	shalt  }
0x50: {  	_ =	shalt  }
0x51: {  	_ =	shalt  }
0x52: {  	_ =	shalt  }
0x53: {  	_ =	shalt  }
0x54: {  	_ =	shalt  }
0x55: {  	_ =	shalt  }
0x56: {  	_ =	shalt  }
0x57: {  	_ =	shalt  }
0x58: {  	_ =	shalt  }
0x59: {  	_ =	shalt  }
0x5a: {  	_ =	shalt  }
0x5b: {  	_ =	shalt  }
0x5c: {  	_ =	shalt  }
0x5d: {  	_ =	shalt  }
0x5e: {  	_ =	shalt  }
0x5f: {  	_ =	shalt  }
0x60: {  	_ =	shalt  }
0x61: {  	_ =	shalt  }
0x62: {  	_ =	shalt  }
0x63: {  	_ =	shalt  }
0x64: {  	_ =	shalt  }
0x65: {  	_ =	shalt  }
0x66: {  	_ =	shalt  }
0x67: {  	_ =	shalt  }
0x68: {  	_ =	shalt  }
0x69: {  	_ =	shalt  }
0x6a: {  	_ =	shalt  }
0x6b: {  	_ =	shalt  }
0x6c: {  	_ =	shalt  }
0x6d: {  	_ =	shalt  }
0x6e: {  	_ =	shalt  }
0x6f: {  	_ =	shalt  }
0x70: {  	_ =	shalt  }
0x71: {  	_ =	shalt  }
0x72: {  	_ =	shalt  }
0x73: {  	_ =	shalt  }
0x74: {  	_ =	shalt  }
0x75: {  	_ =	shalt  }
0x76: {  	_ =	shalt  }
0x77: {  	_ =	shalt  }
0x78: {  	_ =	shalt  }
0x79: {  	_ =	shalt  }
0x7a: {  	_ =	shalt  }
0x7b: {  	_ =	shalt  }
0x7c: {  	_ =	shalt  }
0x7d: {  	_ =	shalt  }
0x7e: {  	_ =	shalt  }
0x7f: {  	_ =	shalt  }
0x80: {  	_ =	shalt  }
0x81: {  	_ =	shalt  }
0x82: {  	_ =	shalt  }
0x83: {  	_ =	shalt  }
0x84: {  	_ =	shalt  }
0x85: {  	_ =	shalt  }
0x86: {  	_ =	shalt  }
0x87: {  	_ =	shalt  }
.Lfunc_end0:
.L_simem_size_0:
called_computation.2_lowered:
.L_overlay_start_0:
0x88: {  	s2 =	sld [smem:$0x3FD9]  }
0x89: {  	s3 =	sld [smem:$0x3FFE];
	_ =	sdelay $0x1  }
0x8a: {  	s1 =	srdreg.scid  }
0x8b: {  	s0 =	sand.u32 $0x1, s1  }
0x8c: {  	s16 =	sshll.u32 s0, $0xA;
	s2 =	sadd.s32 s3, s2  }
0x8d: {  	s2 =	sadd.s32 s2, s16  }
0x8e: {  	[smem:$0x3FBE] =	sst s2  }
0x8f: {  	_ = 	snop  }
0x90: {  	(tm) =	ssettm $0x1  }
0x91: {  	s17 =	sld [smem:$0x3FFB];
	_ =	sdelay $0x3  }
0x92: {  	_ =	strace s17  }
0x93: {  	s2 =	sld [smem:$0x3FFC];
	_ =	sdelay $0x3  }
0x94: {  	_ =	strace s2  }
0x95: {  	s2 =	sld [smem:$0x3FFD];
	_ =	sdelay $0x3  }
0x96: {  	_ =	strace s2  }
0x97: {  	_ =	strace $0x8FFFFFFF  }
0x98: {  	s18 =	sld [smem:$0x3FDB];
	_ =	sdelay $0x1  }
0x99: {  	s19 =	simm.s32 $_scs_section_size  }
0x9a: {  	s4 =	simm.s32 $_size__tile_overlayer_lowered;
	s5 =	simm.s32 $_tile_overlayer_lowered  }
0x9b: {  	s22 =	simm.s32 $0x1BFF;
	s21 =	sshll.u32 s5, $0x1;
	s2 =	sadd.s32 s19, s18  }
0x9c: {  	s6 =	simm.s32 $0x0;
	s20 =	sshll.u32 s4, $0x1;
	s4 =	sadd.s32 s21, s2  }
0x9d: {  	[timem:s6], [sflag:s22] =	dma.local [hbm:s4], s20  }
0x9e: {  	_ =	swait.ge [sflag:s22], s20  }
0x9f: {  	s3 =	ssub.s32 $0x0, s20;
	[sflag:s22] =	ssyncset.done $0x0  }
0xa0: {  	[sflag:s22] =	ssyncadd.s32 s3;
	_ =	sdelay $0x1  }
0xa1: {  	s23 =	simm.s32 $0x1B8B  }
0xa2: {  	_ =	swait.ge [sflag:s23], $0x1  }
0xa3: {  	[sflag:s23] =	ssyncset.done $0x0  }
0xa4: {  	s25 =	simm.s32 $0x1B8E;
	s24 =	sld [smem:$0x3FFE];
	[sflag:s23] =	ssyncadd.s32 $0xFFFFFFFF  }
0xa5: {  	s26 =	simm.s32 $execute0_lowered;
	[smem:$0x3FD2] =	sst s25  }
0xa6: {  	s4 =	sshll.u32 s26, $0x1;
	_ =	strace $0x8000004C;
	[dreg:$0x1] =	wrdreg $0xFFFFFFFF  }
0xa7: {  	s28 =	simm.s32 $_size_execute0_lowered;
	s2 =	sadd.s32 s2, s4;
	[dreg:$0x0] =	wrdreg $0x0  }
0xa8: {  	s4 =	sshll.u32 s28, $0x1;
	[dreg:$0x2] =	wrdreg s2  }
0xa9: {  	[dreg:$0x3] =	wrdreg s4  }
0xaa: {  	[dreg:$0x4] =	wrdreg $0xC0  }
0xab: {  	_ =	task [dreg:s6], $0x5FFFF  }
0xac: {  	[dreg:$0x1] =	wrdreg $0xFFFFFFFF  }
0xad: {  	[dreg:$0x0] =	wrdreg $0x60  }
0xae: {  	[dreg:$0x2] =	wrdreg s24  }
0xaf: {  	[dreg:$0x3] =	wrdreg $0x0  }
0xb0: {  	[dreg:$0x4] =	wrdreg $0x9  }
0xb1: {  	_ =	task.clear_ibuf [dreg:s6], $0x5FFFF;
	_ =	strace $0x9000004C  }
0xb2: {  	s29 =	simm.s32 $0x9;
	_ =	strace $0x8000004E  }
0xb3: {  	_ =	swait.ge [sflag:s29], $0x1  }
0xb4: {  	[sflag:s29] =	ssyncadd.s32 $0xFFFFFFFF  }
0xb5: {  	_ =	strace $0x9000004E  }
0xb6: {  	_ =	sfence  }
0xb7: {  	s30 =	sld [smem:$0x0];
	_ =	sdelay $0x2  }
0xb8: {  	s31 =	sshll.u32 s1, $0xD;
	s1 =	sshrl.u32 s1, $0x2  }
0xb9: {  	s3 =	sand.u32 $0x4000, s31;
	s1 =	sadd.s32 s1, s30  }
0xba: {  	s0 =	sor.u32 s3, s0;
	s1 =	sshll.u32 s1, $0x11  }
0xbb: {  	s0 =	sor.u32 s1, s0  }
0xbc: {  	s0 =	sadd.s32 $0x8F2B, s0  }
0xbd: {  	[sflag:s0] =	ssyncadd.remote.s32 $0x1  }
0xbe: {  	_ =	sfence.sel $0xFFFF  }
0xbf: {  	[dreg:$0x0] =	wrdreg $0xFFFFFFFF;
	(pc) =	sbr.abs _section_cstart, $3  }
0xc0: {  	[dreg:$0x1] =	wrdreg $0xFFFFFFFF  }
0xc1: {  	_ =	task.clear_ibuf [dreg:s6], $0x2FFFF;
	_ =	strace $0x9FFFFFFF  }
0xc2: {  	(tm) =	ssettm $0x7FFFFFFF  }
0xc3: {  	_ =	shalt  }
tec
execute0_lowered:
.L_overlay_start_1:
0x0: {  	(tag) =	ssettag $0x1  }
0x1: {  	s4 =	rddreg [dreg:$0x0]  }
0x2: {  	s1 =	rddreg [dreg:$0x1]  }
0x3: {  	s0 =	rddreg [dreg:$0x2];
	s3 =	simm.s32 $0x0;
	s2 =	stileid.u32  }
0x4: {  	s5 =	srdreg.scid;
	s18 =	simm.s32 $0x50;
	s19 =	simm.s32 $0x1C000  }
0x5: {  	s20 =	simm.s32 $0x1;
	s21 =	simm.s32 $0x0;
	[smem:$0x7FF] =	sst s3  }
0x6: {  	s9 =	sadd.s32 $0x12600, s4;
	s6 =	sshll.u32 s2, $0xB;
	s8 =	smul.u32 $0x50000, s2  }
0x7: {  	s5 =	sand.u32 $0x1, s5;
	s10 =	sadd.s32 $0xB2600, s4;
	s31 =	smul.u32 $0x14000, s2  }
0x8: {  	s16 =	sshll.u32 s2, $0x6;
	_ =	strace $0x8000004D;
	s6 =	sadd.s32 s6, s4  }
0x9: {  	s7 =	ssub.s32 $0x2, s5;
	s11 =	smul.u32 $0x280000, s5;
	s16 =	sor.u32 $0x1C02, s16  }
0xa: {  	s28 =	sshrl.u32 s7, $0x1;
	s4 =	sadd.s32 $0x2600, s6;
	s5 =	sadd.s32 $0xA600, s6  }
0xb: {  	s29 =	sshrl.u32 s8, $0x2;
	s12 =	ssub.s32 s7, s28;
	s30 =	sshrl.u32 s11, $0x3  }
0xc: {  	s17 =	sadd.s32 s29, s1;
	s13 =	sadd.s32 $0x140000, s11;
	s7 =	sshrl.u32 s31, $0x3  }
0xd: {  	s11 =	sadd.s32 s31, s11;
	s6 =	sadd.s32 s9, s30;
	s8 =	sadd.s32 s31, s13  }
0xe: {  	s11 =	sshrl.u32 s11, $0x3;
	s13 =	sshrl.u32 s13, $0x3;
	s17 =	sshrl.u32 s17, $0x3  }
0xf: {  	s14 =	sshrl.u32 s8, $0x3;
	s8 =	sadd.s32 s10, s11;
	s9 =	sadd.s32 s9, s13  }
0x10: {  	s11 =	smax.u32 s12, $0x1;
	s12 =	simm.s32 $0x14000;
	s13 =	simm.s32 $0x2  }
0x11: {  	s15 =	sadd.s32 s7, s6;
	s10 =	sadd.s32 s10, s14;
	s14 =	simm.s32 $0x18000  }
.LBB2_1:
0x12: {  	[tilespmem:s12], [sflag:$0x2] =	stream.linear.gather [hbm4b:s4+s3], $0x4000, $0x38;
	[tilespmem:$0x1E800] =	vst v63  }
0x13: {  	_ =	swait.ge [sflag:s13], $0x4000  }
0x14: {  	[sflag:s13] =	ssyncset.done $0x0  }
0x15: {  	[sflag:s13] =	ssyncadd.s32 $0xFFFFC000  }
0x16: {  	[tilespmem:s14], [sflag:$0x2] =	stream.linear.gather [hbm4b:s5+s3], $0x4000, $0x38;
	[tilespmem:$0x1E800] =	vst v63  }
0x17: {  	_ =	swait.ge [sflag:s13], $0x4000  }
0x18: {  	[sflag:s13] =	ssyncset.done $0x0  }
0x19: {  	[sflag:s13] =	ssyncadd.s32 $0xFFFFC000  }
0x1a: {  	[spmem:s17], [sflag:s16] =	dma.local [hbm:s15], $0x2800  }
0x1b: {  	_ =	swait.ge [sflag:s13], $0x2800  }
0x1c: {  	[sflag:s13] =	ssyncset.done $0x0  }
0x1d: {  	[sflag:s13] =	ssyncadd.s32 $0xFFFFD800  }
0x1e: {  	s22 =	simm.s32 $0x14000;
	[bflag:$0x0] =	sbarrier.arrive $0xFFFF  }
0x1f: {  	[tilespmem:s19], [sflag:$0x1] =	stream.indirect.gather [hbm4b:s6+s18], $0x80, s22, s18, $0xb8;
	[tilespmem:$0x1E800] =	vst v63  }
0x20: {  	_ =	swait.ge [sflag:s20], $0x2800  }
0x21: {  	[sflag:s20] =	ssyncset.done $0x0  }
0x22: {  	s31 =	simm.s32 $0x18000;
	[sflag:s20] =	ssyncadd.s32 $0xFFFFD800  }
0x23: {  	[spmem:s1] =	stream.indirect.scatter.add.f32 [tilespmem:s19], [sflag:$0x2], $0x80, s31, s18, $0xb8;
	[tilespmem:$0x1E800] =	vst v63  }
0x24: {  	_ =	swait.ge [sflag:s13], $0x2800  }
0x25: {  	s23 =	simm.s32 $0x400;
	s22 =	simm.s32 $0x80;
	[sflag:s13] =	ssyncset.done $0x0  }
.LBB2_2:
0x26: {  	s24 =	sadd.s32 $0x14000, s22  }
0x27: {  	[sflag:s13] =	ssyncadd.s32 $0xFFFFD800;
	s25 =	smov.u32 s23;
	s26 =	sadd.s32 $0x200, s23  }
0x28: {  	[tilespmem:s19], [sflag:$0x1] =	stream.indirect.gather [hbm4b:s6+s18], $0x80, s24, s18, $0xb8;
	[tilespmem:$0x1E800] =	vst v63  }
0x29: {  	p0 =	sne.s32 s23, $0xFE00;
	_ =	swait.ge [sflag:s20], $0x2800  }
.Ltmp0:
0x2a: {  	[sflag:s20] =	ssyncset.done $0x0;
	(pc) =	sbr.rel @p0 .LBB2_2-.Ltmp0, $4  }
0x2b: {  	s22 =	sadd.s32 $0x18000, s22;
	[sflag:s20] =	ssyncadd.s32 $0xFFFFD800  }
0x2c: {  	[spmem:s1] =	stream.indirect.scatter.add.f32 [tilespmem:s19], [sflag:$0x2], $0x80, s22, s18, $0xb8;
	[tilespmem:$0x1E800] =	vst v63  }
0x2d: {  	_ =	swait.ge [sflag:s13], $0x2800  }
0x2e: {  	s23 =	smov.u32 s26;
	s22 =	sshra.s32 s25, $0x2;
	[sflag:s13] =	ssyncset.done $0x0  }
0x2f: {  	s23 =	sadd.s32 $0x14000, s22;
	[sflag:s13] =	ssyncadd.s32 $0xFFFFD800  }
0x30: {  	[tilespmem:s19], [sflag:$0x1] =	stream.indirect.gather [hbm4b:s6+s18], $0x80, s23, s18, $0xb8;
	[tilespmem:$0x1E800] =	vst v63  }
0x31: {  	_ =	swait.ge [sflag:s20], $0x2800  }
0x32: {  	[sflag:s20] =	ssyncset.done $0x0  }
0x33: {  	s28 =	sadd.s32 $0x18000, s22;
	[sflag:s20] =	ssyncadd.s32 $0xFFFFD800  }
0x34: {  	[spmem:s1] =	stream.indirect.scatter.add.f32 [tilespmem:s19], [sflag:$0x2], $0x80, s28, s18, $0xb8;
	[tilespmem:$0x1E800] =	vst v63  }
0x35: {  	_ =	swait.ge [sflag:s13], $0x2800  }
0x36: {  	[sflag:s13] =	ssyncset.done $0x0  }
0x37: {  	[sflag:s13] =	ssyncadd.s32 $0xFFFFD800  }
0x38: {  	[bflag:$0x0] =	sbarrier.arrive $0xFFFF  }
0x39: {  	[hbm:s8], [sflag:s16] =	dma.local [spmem:s17], $0x2800  }
0x3a: {  	_ =	swait.ge [sflag:s13], $0x2800  }
0x3b: {  	[sflag:s13] =	ssyncset.done $0x0  }
0x3c: {  	[sflag:s13] =	ssyncadd.s32 $0xFFFFD800  }
0x3d: {  	s29 =	sadd.s32 s7, s9;
	[bflag:$0x0] =	sbarrier.arrive $0xFFFF  }
0x3e: {  	[spmem:s17], [sflag:s16] =	dma.local [hbm:s29], $0x2800  }
0x3f: {  	_ =	swait.ge [sflag:s13], $0x2800  }
0x40: {  	[sflag:s13] =	ssyncset.done $0x0  }
0x41: {  	[sflag:s13] =	ssyncadd.s32 $0xFFFFD800  }
0x42: {  	s30 =	simm.s32 $0x14000;
	[bflag:$0x0] =	sbarrier.arrive $0xFFFF  }
0x43: {  	[tilespmem:s19], [sflag:$0x1] =	stream.indirect.gather [hbm4b:s9+s18], $0x80, s30, s18, $0xb8;
	[tilespmem:$0x1E800] =	vst v63  }
0x44: {  	_ =	swait.ge [sflag:s20], $0x2800  }
0x45: {  	[sflag:s20] =	ssyncset.done $0x0  }
0x46: {  	s31 =	simm.s32 $0x18000;
	[sflag:s20] =	ssyncadd.s32 $0xFFFFD800  }
0x47: {  	[spmem:s1] =	stream.indirect.scatter.add.f32 [tilespmem:s19], [sflag:$0x2], $0x80, s31, s18, $0xb8;
	[tilespmem:$0x1E800] =	vst v63  }
0x48: {  	_ =	swait.ge [sflag:s13], $0x2800  }
0x49: {  	s22 =	simm.s32 $0x80;
	s23 =	simm.s32 $0x400;
	[sflag:s13] =	ssyncset.done $0x0  }
.LBB2_4:
0x4a: {  	s24 =	sadd.s32 $0x14000, s22  }
0x4b: {  	[sflag:s13] =	ssyncadd.s32 $0xFFFFD800;
	s25 =	smov.u32 s23;
	s26 =	sadd.s32 $0x200, s23  }
0x4c: {  	[tilespmem:s19], [sflag:$0x1] =	stream.indirect.gather [hbm4b:s9+s18], $0x80, s24, s18, $0xb8;
	[tilespmem:$0x1E800] =	vst v63  }
0x4d: {  	p0 =	sne.s32 s23, $0xFE00;
	_ =	swait.ge [sflag:s20], $0x2800  }
.Ltmp1:
0x4e: {  	[sflag:s20] =	ssyncset.done $0x0;
	(pc) =	sbr.rel @p0 .LBB2_4-.Ltmp1, $4  }
0x4f: {  	s22 =	sadd.s32 $0x18000, s22;
	[sflag:s20] =	ssyncadd.s32 $0xFFFFD800  }
0x50: {  	[spmem:s1] =	stream.indirect.scatter.add.f32 [tilespmem:s19], [sflag:$0x2], $0x80, s22, s18, $0xb8;
	[tilespmem:$0x1E800] =	vst v63  }
0x51: {  	_ =	swait.ge [sflag:s13], $0x2800  }
0x52: {  	s23 =	smov.u32 s26;
	s22 =	sshra.s32 s25, $0x2;
	[sflag:s13] =	ssyncset.done $0x0  }
0x53: {  	s23 =	sadd.s32 $0x14000, s22;
	[sflag:s13] =	ssyncadd.s32 $0xFFFFD800  }
0x54: {  	[tilespmem:s19], [sflag:$0x1] =	stream.indirect.gather [hbm4b:s9+s18], $0x80, s23, s18, $0xb8;
	[tilespmem:$0x1E800] =	vst v63  }
0x55: {  	_ =	swait.ge [sflag:s20], $0x2800  }
0x56: {  	[sflag:s20] =	ssyncset.done $0x0  }
0x57: {  	s31 =	sadd.s32 $0x18000, s22;
	[sflag:s20] =	ssyncadd.s32 $0xFFFFD800  }
0x58: {  	[spmem:s1] =	stream.indirect.scatter.add.f32 [tilespmem:s19], [sflag:$0x2], $0x80, s31, s18, $0xb8;
	[tilespmem:$0x1E800] =	vst v63  }
0x59: {  	_ =	swait.ge [sflag:s13], $0x2800  }
0x5a: {  	[sflag:s13] =	ssyncset.done $0x0  }
0x5b: {  	s21 =	sadd.s32 $0x1, s21;
	[sflag:s13] =	ssyncadd.s32 $0xFFFFD800  }
0x5c: {  	p0 =	sne.s32 s21, s11;
	[bflag:$0x0] =	sbarrier.arrive $0xFFFF  }
0x5d: {  	[hbm:s10], [sflag:s16] =	dma.local [spmem:s17], $0x2800  }
.Ltmp2:
0x5e: {  	_ =	swait.ge [sflag:s13], $0x2800;
	(pc) =	sbr.rel @p0 .LBB2_1-.Ltmp2, $3  }
0x5f: {  	[sflag:s13] =	ssyncset.done $0x0  }
0x60: {  	[sflag:s13] =	ssyncadd.s32 $0xFFFFD800  }
0x61: {  	[bflag:$0x0] =	sbarrier.arrive $0xFFFF;
	_ =	sdelay $0x1  }
0x62: {  	_ =	sfence.sel $0x180000  }
0x63: {  	[bflag:$0x0] =	sbarrier.arrive $0xFFFF  }
0x64: {  	p0 =	sne.s32 s2, $0x0;
	_ =	strace $0x9000004D  }
0x65: {  	s0 =	sadd.s32 @!p0 $0x100000, s0;
	[bflag:$0x2] =	sbarrier.arrive $0xFFFF  }
0x66: {  	[sflag:s0] =	ssyncadd.tile.s32 @!p0 $0x1;
	_ =	shalt  }
.Lfunc_end2:
_tile_overlayer_lowered:
.L_overlay_start_2:
0x67: {  	(tag) =	ssettag $0x2  }
0x68: {  	s0 =	rddreg [dreg:$0x0];
	s2 =	stileid.u32  }
0x69: {  	s1 =	rddreg [dreg:$0x1];
	p0 =	sne.s32 s2, $0x0  }
0x6a: {  	s3 =	rddreg [dreg:$0x2];
	[bflag:$0x3] =	sbarrier.arrive $0xFFFF;
	s2 =	simm.s32 @!p0 $0x1C02  }
0x6b: {  	[timem:s3], [sflag:s2] =	dma.local @!p0 [hbm:s0], s1  }
0x6c: {  	s0 =	simm.s32 @!p0 $0x2  }
0x6d: {  	_ =	swait.ge @!p0 [sflag:s0], s1  }
0x6e: {  	s1 =	ssub.s32 @!p0 $0x0, s1;
	[sflag:s0] =	ssyncset.done @!p0 $0x0  }
0x6f: {  	[sflag:s0] =	ssyncadd.s32 @!p0 s1  }
0x70: {  	[bflag:$0x3] =	sbarrier.arrive $0xFFFF  }
0x71: {  	_ =	shalt  }

</sc_bundles>
